<compile_context>
chip_gen: v7x
topology: tpu7x:2x2x1
jax: 0.10.2.dev20260603
libtpu: 0.0.44.dev20260713+nightly
codegen_flags: <defaults>
</compile_context>

<pallas_src>
import functools

import jax
import jax.numpy as jnp
from jax import lax
from jax.experimental import pallas as pl
from jax.experimental.pallas import tpu as pltpu
from jax.experimental.pallas import tpu_sc as plsc

N = 10000
D = 128
K = 16
B = 2
NP = 10240
RB = 256
CHUNK = 128
NCHUNK = NP // CHUNK
NEG = -3e38
BN_EPS = 1e-5


def _topk_body(w_ref, wT_ref, out_ref):
    wT = wT_ref[...]
    inv = jax.lax.rsqrt(jnp.sum(wT * wT, axis=0, keepdims=True))
    s = jnp.dot(w_ref[...], wT, preferred_element_type=jnp.float32,
                precision=jax.lax.Precision.HIGHEST)
    s = s * inv
    col = jax.lax.broadcasted_iota(jnp.int32, (RB, NP), 1)
    s = jnp.where(col < N, s, NEG)

    m = jnp.max(s.reshape(RB, NCHUNK, CHUNK), axis=2)
    cid = jax.lax.broadcasted_iota(jnp.int32, (RB, NCHUNK), 1)
    lane = jax.lax.broadcasted_iota(jnp.int32, (RB, CHUNK), 1)

    mw = m
    ohparts = []
    gparts = []
    for _ in range(K):
        gm = jnp.max(mw, axis=1)
        c = jnp.min(jnp.where(mw == gm[:, None], cid, NCHUNK), axis=1)
        sel = cid == c[:, None]
        ohparts.append(jnp.where(sel, 1.0, 0.0))
        gparts.append(c[:, None] * CHUNK + lane)
        mw = jnp.where(sel, NEG, mw)

    oh = jnp.concatenate(ohparts, axis=1).reshape(RB, K, NCHUNK)
    ext = jax.lax.dot_general(oh, s.reshape(RB, NCHUNK, CHUNK),
                              (((2,), (1,)), ((0,), (0,))),
                              precision=jax.lax.Precision.HIGHEST,
                              preferred_element_type=jnp.float32)
    v2 = ext.reshape(RB, K * CHUNK)
    g2 = jnp.concatenate(gparts, axis=1)

    outs = []
    for _ in range(K):
        gm = jnp.max(v2, axis=1)
        gi = jnp.min(jnp.where(v2 == gm[:, None], g2, jnp.int32(2**30)), axis=1)
        outs.append(gi[:, None])
        v2 = jnp.where(g2 == gi[:, None], NEG, v2)
    out_ref[...] = jnp.concatenate(outs, axis=1)


def _topk(emb):
    wpad = jnp.zeros((NP, D), jnp.float32).at[:N].set(emb)
    wTpad = wpad.T
    grid = NP // RB
    out = pl.pallas_call(
        _topk_body,
        grid=(grid,),
        in_specs=[
            pl.BlockSpec((RB, D), lambda i: (i, 0)),
            pl.BlockSpec((D, NP), lambda i: (0, 0)),
        ],
        out_specs=pl.BlockSpec((RB, K), lambda i: (i, 0)),
        out_shape=jax.ShapeDtypeStruct((NP, K), jnp.int32),
    )(wpad, wTpad)
    return out[:N]


XB = 400


def _xl_body(x_ref, e_ref, linT_ref, attx_ref, atte_ref, xl_ref, a_ref):
    xl = jnp.dot(x_ref[...], linT_ref[...], preferred_element_type=jnp.float32)
    xl_ref[...] = xl
    a = (jnp.dot(xl, attx_ref[...], preferred_element_type=jnp.float32)
         + jnp.dot(e_ref[...], atte_ref[...], preferred_element_type=jnp.float32))
    a_ref[...] = a


def _xl_scalars(x2, emb, lin_W, att_i, att_j, att_em_i, att_em_j):
    grid = (B * N) // XB
    nb = N // XB
    attx = jnp.stack([att_i, att_j], axis=1)
    atte = jnp.stack([att_em_i, att_em_j], axis=1)
    xl, a = pl.pallas_call(
        _xl_body,
        grid=(grid,),
        in_specs=[
            pl.BlockSpec((XB, D), lambda i: (i, 0)),
            pl.BlockSpec((XB, D), lambda i: (i % nb, 0)),
            pl.BlockSpec((D, D), lambda i: (0, 0)),
            pl.BlockSpec((D, 2), lambda i: (0, 0)),
            pl.BlockSpec((D, 2), lambda i: (0, 0)),
        ],
        out_specs=[
            pl.BlockSpec((XB, D), lambda i: (i, 0)),
            pl.BlockSpec((XB, 2), lambda i: (i, 0)),
        ],
        out_shape=[
            jax.ShapeDtypeStruct((B * N, D), jnp.float32),
            jax.ShapeDtypeStruct((B * N, 2), jnp.float32),
        ],
    )(x2, emb, lin_W.T, attx, atte)
    return xl, a[:, 0], a[:, 1]



NPWPAD = 640
NGRP = NPWPAD // 8


def _splat_i32(v):
    return jnp.zeros((16,), jnp.int32) + v


def _fwd_body(xl_hbm, nbr_hbm, ai_hbm, aj_hbm, emb_hbm, consts_hbm, out_hbm,
              nbr_v, aj_v, ai_v, consts_v, selfa_v, idx_v, rows_v,
              selfrows_v, embrows_v, attn_v, attnself_v, outv_v, sem):
    wid = lax.axis_index("s") * 2 + lax.axis_index("c")
    b = wid // 16
    base = (wid % 16) * NPWPAD
    bN = b * N

    pltpu.sync_copy(nbr_hbm.at[pl.ds(base, NPWPAD), :], nbr_v)
    pltpu.sync_copy(aj_hbm.at[b, :], aj_v.at[pl.ds(0, NP)])
    pltpu.sync_copy(ai_hbm.at[b, pl.ds(base, NPWPAD)], ai_v.at[pl.ds(0, NPWPAD)])
    pltpu.sync_copy(consts_hbm, consts_v)

    lane = lax.iota(jnp.int32, 16)
    m0 = lane == 0

    def group(g, _):
        nl0 = g * 8

        def idx_step(i, _c):
            nbrv = nbr_v[nl0 + i, :]
            nbrc = jnp.minimum(jnp.maximum(nbrv, 0), N - 1)
            idx_v[pl.ds(i * 16, 16)] = nbrc + bN
            return _c
        lax.fori_loop(0, 8, idx_step, None)
        copy = pltpu.make_async_copy(xl_hbm.at[idx_v], rows_v, sem)
        copy.start()
        selfrow0 = jnp.minimum(bN + base + nl0, B * N - 8)
        pltpu.sync_copy(xl_hbm.at[pl.ds(selfrow0, 8), :], selfrows_v)
        embrow0 = jnp.minimum(base + nl0, N - 8)
        pltpu.sync_copy(emb_hbm.at[pl.ds(embrow0, 8), :], embrows_v)

        ai16 = ai_v[pl.ds(nl0, 16)]
        ajs16 = aj_v[pl.ds(base + nl0, 16)]
        sa = ai16 + ajs16
        selfa_v[...] = jnp.where(sa > 0, sa, 0.2 * sa)

        def att_step(i, _c):
            nbrv = nbr_v[nl0 + i, :]
            nbrc = jnp.minimum(jnp.maximum(nbrv, 0), N - 1)
            ajv = plsc.load_gather(aj_v, [nbrc])
            aiv = plsc.load_gather(ai_v, [_splat_i32(nl0 + i)])
            al = aiv + ajv
            al = jnp.where(al > 0, al, 0.2 * al)
            selfmask = nbrv == _splat_i32(base + nl0 + i)
            al = jnp.where(selfmask, -1e30, al)
            sav = plsc.load_gather(selfa_v, [_splat_i32(i)])
            amax = jnp.max(jnp.maximum(al, sav))
            ex = jnp.where(selfmask, 0.0, jnp.exp(al - amax))
            exs_v = jnp.exp(sav - amax)
            denom = jnp.sum(ex) + jnp.max(exs_v) + 1e-16
            denom_v = jnp.zeros((16,), jnp.float32) + denom
            attn_v[pl.ds(i * 16, 16)] = ex / denom_v
            plsc.store_scatter(attnself_v, [_splat_i32(i)],
                               exs_v / denom_v, mask=m0)
            return _c
        lax.fori_loop(0, 8, att_step, None)

        copy.wait()

        def acc_step(i, _c):
            def k_step(k, acc):
                r = i * 16 + k
                w = plsc.load_gather(attn_v, [_splat_i32(r)])
                return tuple(acc[c] + w * rows_v[r, pl.ds(c * 16, 16)]
                             for c in range(8))
            acc = lax.fori_loop(
                0, 16, k_step,
                tuple(jnp.zeros((16,), jnp.float32) for _ in range(8)))
            ws = plsc.load_gather(attnself_v, [_splat_i32(i)])
            psum = jnp.zeros((16,), jnp.float32)
            for c in range(8):
                sl = pl.ds(c * 16, 16)
                hc = acc[c] + ws * selfrows_v[i, sl]
                hc = (hc + consts_v[0, sl]) * embrows_v[i, sl]
                hc = hc * consts_v[1, sl] + consts_v[2, sl]
                hc = jnp.maximum(hc, 0.0)
                psum = psum + hc * consts_v[3, sl]
            outn = jnp.sum(psum)
            plsc.store_scatter(outv_v, [_splat_i32(i)],
                               jnp.zeros((16,), jnp.float32) + outn,
                               mask=m0)
            return _c
        lax.fori_loop(0, 8, acc_step, None)

        outv_v[...] = outv_v[...] + consts_v[4, pl.ds(0, 16)]
        pltpu.sync_copy(outv_v.at[pl.ds(0, 8)],
                        out_hbm.at[b, pl.ds(base + nl0, 8)])
        return _

    lax.fori_loop(0, NGRP, group, None)


def _sc_forward(xl, nbr, a_i, a_j, emb, consts):
    mesh = plsc.VectorSubcoreMesh(core_axis_name="c", subcore_axis_name="s")
    f = pl.kernel(
        _fwd_body,
        out_type=jax.ShapeDtypeStruct((B, NP), jnp.float32),
        mesh=mesh,
        compiler_params=pltpu.CompilerParams(needs_layout_passes=False),
        scratch_types=[
            pltpu.VMEM((NPWPAD, K), jnp.int32),
            pltpu.VMEM((NP + 16,), jnp.float32),
            pltpu.VMEM((NPWPAD + 16,), jnp.float32),
            pltpu.VMEM((5, D), jnp.float32),
            pltpu.VMEM((16,), jnp.float32),
            pltpu.VMEM((128,), jnp.int32),
            pltpu.VMEM((128, D), jnp.float32),
            pltpu.VMEM((8, D), jnp.float32),
            pltpu.VMEM((8, D), jnp.float32),
            pltpu.VMEM((128,), jnp.float32),
            pltpu.VMEM((16,), jnp.float32),
            pltpu.VMEM((16,), jnp.float32),
            pltpu.SemaphoreType.DMA,
        ],
    )
    return f(xl, nbr, a_i, a_j, emb, consts)


def kernel(data, emb, lin_W, att_i, att_j, att_em_i, att_em_j, gat_bias, bn_gamma, bn_beta, out_W, out_b):
    nbr = _topk(emb)
    x2 = data.reshape(B * N, D)
    xl, a_i, a_j = _xl_scalars(x2, emb, lin_W, att_i, att_j, att_em_i, att_em_j)

    nbr_pad = jnp.zeros((NP, K), jnp.int32).at[:N].set(nbr)
    a_i2 = jnp.zeros((B, NP), jnp.float32).at[:, :N].set(a_i.reshape(B, N))
    a_j2 = jnp.zeros((B, NP), jnp.float32).at[:, :N].set(a_j.reshape(B, N))
    scale = bn_gamma / jnp.sqrt(1.0 + BN_EPS)
    consts = jnp.stack([
        gat_bias, scale, bn_beta, out_W[0],
        jnp.full((D,), out_b[0], jnp.float32),
    ])
    out = _sc_forward(xl, nbr_pad, a_i2, a_j2, emb, consts)
    return out[:, :N]

# --- scband reference (transcript-rebuilt; emitter-appended) ---
"""Pipeline reference for scband-gdn-12695923327310 (READ-ONLY COPY).

The authoritative reference and input builder live on the scoring server;
editing this copy changes nothing except your own understanding.
"""

import jax, jax.numpy as jnp
import numpy as np

NODE_NUM = 10000
DIM = 128
INPUT_DIM = 128
TOPK = 16
BATCH = 2
BN_EPS = 1e-5


def _uniform(k, shape, bound):
    return jax.random.uniform(k, shape, minval=-bound, maxval=bound, dtype=jnp.float32)


def setup_inputs(seed: int = 0):
    key = jax.random.key(seed)
    ks = jax.random.split(key, 10)
    data = jax.random.normal(ks[0], (BATCH, NODE_NUM, INPUT_DIM), dtype=jnp.float32)
    emb = _uniform(ks[1], (NODE_NUM, DIM), 1.0 / np.sqrt(DIM))  # kaiming_uniform a=sqrt(5)
    lin_W = _uniform(ks[2], (DIM, INPUT_DIM), 1.0 / np.sqrt(INPUT_DIM))
    att_i = _uniform(ks[3], (DIM,), np.sqrt(6.0 / DIM))
    att_j = _uniform(ks[4], (DIM,), np.sqrt(6.0 / DIM))
    att_em_i = _uniform(ks[5], (DIM,), np.sqrt(6.0 / DIM))
    att_em_j = _uniform(ks[6], (DIM,), np.sqrt(6.0 / DIM))
    gat_bias = jnp.zeros((DIM,), dtype=jnp.float32)
    bn_gamma = jnp.ones((DIM,), dtype=jnp.float32)
    bn_beta = jnp.zeros((DIM,), dtype=jnp.float32)
    out_W = _uniform(ks[7], (1, DIM), 1.0 / np.sqrt(DIM))
    out_b = _uniform(ks[8], (1,), 1.0 / np.sqrt(DIM))
    return {"data": data, "emb": emb, "lin_W": lin_W, "att_i": att_i, "att_j": att_j,
            "att_em_i": att_em_i, "att_em_j": att_em_j, "gat_bias": gat_bias,
            "bn_gamma": bn_gamma, "bn_beta": bn_beta, "out_W": out_W, "out_b": out_b}


def _build_edges(emb):
    # Graph structure learning: topk cosine similarity on DETACHED embeddings
    # (weights_arr = all_embeddings.detach().clone() in torch), so edges are constants.
    w = jax.lax.stop_gradient(emb).astype(jnp.float32)
    nrm = jnp.linalg.norm(w, axis=-1)
    cos = jnp.matmul(w, w.T, precision=jax.lax.Precision.HIGHEST) / (nrm[:, None] * nrm[None, :])
    topk_idx = jax.lax.top_k(cos, TOPK)[1]
    gated_i = jnp.repeat(jnp.arange(NODE_NUM), TOPK)     # dst
    gated_j = topk_idx.reshape(-1)                       # src
    offs = jnp.arange(BATCH) * NODE_NUM                  # get_batch_edge_index
    src = (gated_j[None, :] + offs[:, None]).reshape(-1)
    dst = (gated_i[None, :] + offs[:, None]).reshape(-1)
    keep = src != dst                                    # remove_self_loops
    n_total = BATCH * NODE_NUM                           # add_self_loops
    src = jnp.concatenate([src, jnp.arange(n_total)])
    dst = jnp.concatenate([dst, jnp.arange(n_total)])
    mask = jnp.concatenate([keep, jnp.ones((n_total,), dtype=jnp.bool_)])
    return src.astype(jnp.int32), dst.astype(jnp.int32), mask


def _forward(data, emb, lin_W, att_i, att_j, att_em_i, att_em_j, gat_bias, bn_gamma, bn_beta, out_W, out_b, src, dst, mask):
    B, N, F = data.shape
    n_total = B * N
    # x = data.clone().detach() in torch -> no grad to data
    x = jax.lax.stop_gradient(data).reshape(-1, F)
    # GraphLayer (GAT-style with embedding-augmented attention, heads=1)
    xl = x @ lin_W.T                                     # [BN, DIM]
    all_emb = jnp.tile(emb, (B, 1))                      # embedding.repeat(batch_num, 1)
    x_i = xl[dst]
    x_j = xl[src]
    e_i = all_emb[dst]
    e_j = all_emb[src]
    key_i = jnp.concatenate([x_i, e_i], axis=-1)
    key_j = jnp.concatenate([x_j, e_j], axis=-1)
    cat_att_i = jnp.concatenate([att_i, att_em_i])
    cat_att_j = jnp.concatenate([att_j, att_em_j])
    alpha = (key_i * cat_att_i).sum(-1) + (key_j * cat_att_j).sum(-1)
    alpha = jax.nn.leaky_relu(alpha, negative_slope=0.2)
    alpha = jnp.where(mask, alpha, -jnp.inf)
    # softmax over incoming edges per destination node
    amax = jax.ops.segment_max(alpha, dst, num_segments=n_total)
    ex = jnp.exp(alpha - amax[dst])
    denom = jax.ops.segment_sum(ex, dst, num_segments=n_total)
    attn = ex / (denom[dst] + 1e-16)
    gcn = jax.ops.segment_sum(x_j * attn[:, None], dst, num_segments=n_total) + gat_bias
    # out = x * embedding(indexes)
    h = gcn.reshape(B, N, DIM) * emb[None, :, :]
    # BatchNorm1d(dim) in eval mode (running_mean=0, running_var=1), then ReLU; dropout is identity in eval
    h = h / jnp.sqrt(1.0 + BN_EPS) * bn_gamma + bn_beta
    h = jax.nn.relu(h)
    # OutLayer with layer_num=1: single Linear(dim, 1)
    out = h @ out_W.T + out_b                            # [B, N, 1]
    return out.reshape(-1, N)


def reference(data, emb, lin_W, att_i, att_j, att_em_i, att_em_j, gat_bias, bn_gamma, bn_beta, out_W, out_b):
    src, dst, mask = _build_edges(emb)
    return _forward(data, emb, lin_W, att_i, att_j, att_em_i, att_em_j, gat_bias, bn_gamma, bn_beta, out_W, out_b, src, dst, mask)

if __name__ == "__main__":
    import jax
    _d = setup_inputs()
    print(jax.jit(kernel)(*tuple(_d.values())))

</pallas_src>

<mosaic_0001>
#map = affine_map<(d0, d1) -> (0, 0)>
module attributes {stable_mosaic.version = 14 : i64} {
  func.func @_fwd_body(%arg0: i32, %arg1: i32, %arg2: memref<20000x128xf32, #tpu.memory_space<hbm>>, %arg3: memref<10240x16xi32, #tpu.memory_space<hbm>>, %arg4: memref<2x10240xf32, #tpu.memory_space<hbm>>, %arg5: memref<2x10240xf32, #tpu.memory_space<hbm>>, %arg6: memref<10000x128xf32, #tpu.memory_space<hbm>>, %arg7: memref<5x128xf32, #tpu.memory_space<hbm>>, %arg8: memref<2x10240xf32, #tpu.memory_space<hbm>>, %arg9: memref<640x16xi32, #tpu.memory_space<vmem>>, %arg10: memref<10256xf32, #tpu.memory_space<vmem>>, %arg11: memref<656xf32, #tpu.memory_space<vmem>>, %arg12: memref<5x128xf32, #tpu.memory_space<vmem>>, %arg13: memref<16xf32, #tpu.memory_space<vmem>>, %arg14: memref<128xi32, #tpu.memory_space<vmem>>, %arg15: memref<128x128xf32, #tpu.memory_space<vmem>>, %arg16: memref<8x128xf32, #tpu.memory_space<vmem>>, %arg17: memref<8x128xf32, #tpu.memory_space<vmem>>, %arg18: memref<128xf32, #tpu.memory_space<vmem>>, %arg19: memref<16xf32, #tpu.memory_space<vmem>>, %arg20: memref<16xf32, #tpu.memory_space<vmem>>, %arg21: memref<!tpu.dma_semaphore, #tpu.memory_space<semaphore_mem>>) attributes {dimension_semantics = [#tpu.dimension_semantics<core_parallel>, #tpu.dimension_semantics<subcore_parallel>], iteration_bounds = array<i64: 2, 16>, scalar_prefetch = 0 : i64, scratch_operands = 13 : i64, tpu.core_type = #tpu.core_type<sc_vector_subcore>, window_params = [{transform_indices = #map}, {transform_indices = #map}, {transform_indices = #map}, {transform_indices = #map}, {transform_indices = #map}, {transform_indices = #map}, {transform_indices = #map}]} {
    %mul3A = arith.constant 2 : i32
    %mul3A_0 = arith.muli %arg1, %mul3A : i32
    %add3A = arith.addi %mul3A_0, %arg0 : i32
    %jit3A = arith.constant 16 : i32
    %div3A = arith.divsi %add3A, %jit3A : i32
    %sign3A = arith.constant 0 : i32
    %sign3A_1 = arith.cmpi sgt, %add3A, %sign3A : i32
    %sign3A_2 = arith.extui %sign3A_1 : i1 to i32
    %sign3A_3 = arith.constant 0 : i32
    %sign3A_4 = arith.cmpi slt, %add3A, %sign3A_3 : i32
    %sign3A_5 = arith.extui %sign3A_4 : i1 to i32
    %sign3A_6 = arith.subi %sign3A_2, %sign3A_5 : i32
    %sign3A_7 = arith.constant 0 : i32
    %sign3A_8 = arith.cmpi sgt, %jit3A, %sign3A_7 : i32
    %sign3A_9 = arith.extui %sign3A_8 : i1 to i32
    %sign3A_10 = arith.constant 0 : i32
    %sign3A_11 = arith.cmpi slt, %jit3A, %sign3A_10 : i32
    %sign3A_12 = arith.extui %sign3A_11 : i1 to i32
    %sign3A_13 = arith.subi %sign3A_9, %sign3A_12 : i32
    %ne3A = arith.cmpi ne, %sign3A_6, %sign3A_13 : i32
    %rem3A = arith.remsi %add3A, %jit3A : i32
    %ne3A_14 = arith.constant 0 : i32
    %ne3A_15 = arith.cmpi ne, %rem3A, %ne3A_14 : i32
    %and3A = arith.andi %ne3A, %ne3A_15 : i1
    %sub3A = arith.constant 1 : i32
    %sub3A_16 = arith.subi %div3A, %sub3A : i32
    %select_n3A = arith.select %and3A, %sub3A_16, %div3A : i32
    %jit3A_17 = arith.constant 16 : i32
    %eq3A = arith.constant 0 : i32
    %eq3A_18 = arith.cmpi eq, %jit3A_17, %eq3A : i32
    %jit3A_19 = arith.constant 1 : i32
    %select_n3A_20 = arith.select %eq3A_18, %jit3A_19, %jit3A_17 : i32
    %rem3A_21 = arith.remsi %add3A, %select_n3A_20 : i32
    %ne3A_22 = arith.constant 0 : i32
    %ne3A_23 = arith.cmpi ne, %rem3A_21, %ne3A_22 : i32
    %lt3A = arith.constant 0 : i32
    %lt3A_24 = arith.cmpi slt, %rem3A_21, %lt3A : i32
    %lt3A_25 = arith.constant 0 : i32
    %lt3A_26 = arith.cmpi slt, %select_n3A_20, %lt3A_25 : i32
    %ne3A_27 = arith.xori %lt3A_24, %lt3A_26 : i1
    %and3A_28 = arith.andi %ne3A_27, %ne3A_23 : i1
    %add3A_29 = arith.addi %rem3A_21, %select_n3A_20 : i32
    %select_n3A_30 = arith.select %and3A_28, %add3A_29, %rem3A_21 : i32
    %mul3A_31 = arith.constant 640 : i32
    %mul3A_32 = arith.muli %select_n3A_30, %mul3A_31 : i32
    %mul3A_33 = arith.constant 10000 : i32
    %mul3A_34 = arith.muli %select_n3A, %mul3A_33 : i32
    "tpu.region"() ({
      %run_scoped3A = tpu.sem_alloc : memref<!tpu.dma_semaphore, #tpu.memory_space<semaphore_mem>>
      %dma_start3A = arith.constant 0 : i32
      %dma_start3A_42 = tpu.memref_slice %arg3[%mul3A_32, %dma_start3A] : memref<10240x16xi32, #tpu.memory_space<hbm>> -> memref<640x16xi32, #tpu.memory_space<hbm>>
      %dma_start3A_43 = arith.constant 0 : i32
      %dma_start3A_44 = tpu.memref_slice %arg3[%mul3A_32, %dma_start3A_43] : memref<10240x16xi32, #tpu.memory_space<hbm>> -> memref<640x16xi32, #tpu.memory_space<hbm>>
      tpu.enqueue_dma source(%dma_start3A_44 : memref<640x16xi32, #tpu.memory_space<hbm>>) target(%arg9 : memref<640x16xi32, #tpu.memory_space<vmem>>) target_semaphore(%run_scoped3A : memref<!tpu.dma_semaphore, #tpu.memory_space<semaphore_mem>>)
      %dma_wait3A = arith.constant 0 : i32
      %dma_wait3A_45 = tpu.memref_slice %arg3[%mul3A_32, %dma_wait3A] : memref<10240x16xi32, #tpu.memory_space<hbm>> -> memref<640x16xi32, #tpu.memory_space<hbm>>
      %dma_wait3A_46 = arith.constant 0 : i32
      %dma_wait3A_47 = tpu.memref_slice %arg3[%mul3A_32, %dma_wait3A_46] : memref<10240x16xi32, #tpu.memory_space<hbm>> -> memref<640x16xi32, #tpu.memory_space<hbm>>
      tpu.wait_dma2 semaphore(%run_scoped3A : memref<!tpu.dma_semaphore, #tpu.memory_space<semaphore_mem>>) src(%dma_wait3A_47 : memref<640x16xi32, #tpu.memory_space<hbm>>) dst(%arg9 : memref<640x16xi32, #tpu.memory_space<vmem>>)
      tpu.yield
    }) : () -> ()
    "tpu.region"() ({
      %run_scoped3A = tpu.sem_alloc : memref<!tpu.dma_semaphore, #tpu.memory_space<semaphore_mem>>
      %dma_start3A = arith.constant 0 : i32
      %dma_start3A_42 = tpu.memref_slice %arg10[%dma_start3A] : memref<10256xf32, #tpu.memory_space<vmem>> -> memref<10240xf32, #tpu.memory_space<vmem>>
      %dma_start3A_43 = arith.constant 0 : i32
      %dma_start3A_44 = tpu.memref_slice %arg5[%select_n3A, %dma_start3A_43] : memref<2x10240xf32, #tpu.memory_space<hbm>> -> memref<1x10240xf32, #tpu.memory_space<hbm>>
      %dma_start3A_45 = tpu.memref_squeeze %dma_start3A_44 : memref<1x10240xf32, #tpu.memory_space<hbm>> -> memref<10240xf32, #tpu.memory_space<hbm>>
      %dma_start3A_46 = arith.constant 0 : i32
      %dma_start3A_47 = tpu.memref_slice %arg10[%dma_start3A_46] : memref<10256xf32, #tpu.memory_space<vmem>> -> memref<10240xf32, #tpu.memory_space<vmem>>
      %dma_start3A_48 = arith.constant 0 : i32
      %dma_start3A_49 = tpu.memref_slice %arg5[%select_n3A, %dma_start3A_48] : memref<2x10240xf32, #tpu.memory_space<hbm>> -> memref<1x10240xf32, #tpu.memory_space<hbm>>
      %dma_start3A_50 = tpu.memref_squeeze %dma_start3A_49 : memref<1x10240xf32, #tpu.memory_space<hbm>> -> memref<10240xf32, #tpu.memory_space<hbm>>
      tpu.enqueue_dma source(%dma_start3A_50 : memref<10240xf32, #tpu.memory_space<hbm>>) target(%dma_start3A_47 : memref<10240xf32, #tpu.memory_space<vmem>>) target_semaphore(%run_scoped3A : memref<!tpu.dma_semaphore, #tpu.memory_space<semaphore_mem>>)
      %dma_wait3A = arith.constant 0 : i32
      %dma_wait3A_51 = tpu.memref_slice %arg10[%dma_wait3A] : memref<10256xf32, #tpu.memory_space<vmem>> -> memref<10240xf32, #tpu.memory_space<vmem>>
      %dma_wait3A_52 = arith.constant 0 : i32
      %dma_wait3A_53 = tpu.memref_slice %arg5[%select_n3A, %dma_wait3A_52] : memref<2x10240xf32, #tpu.memory_space<hbm>> -> memref<1x10240xf32, #tpu.memory_space<hbm>>
      %dma_wait3A_54 = tpu.memref_squeeze %dma_wait3A_53 : memref<1x10240xf32, #tpu.memory_space<hbm>> -> memref<10240xf32, #tpu.memory_space<hbm>>
      %dma_wait3A_55 = arith.constant 0 : i32
      %dma_wait3A_56 = tpu.memref_slice %arg10[%dma_wait3A_55] : memref<10256xf32, #tpu.memory_space<vmem>> -> memref<10240xf32, #tpu.memory_space<vmem>>
      %dma_wait3A_57 = arith.constant 0 : i32
      %dma_wait3A_58 = tpu.memref_slice %arg5[%select_n3A, %dma_wait3A_57] : memref<2x10240xf32, #tpu.memory_space<hbm>> -> memref<1x10240xf32, #tpu.memory_space<hbm>>
      %dma_wait3A_59 = tpu.memref_squeeze %dma_wait3A_58 : memref<1x10240xf32, #tpu.memory_space<hbm>> -> memref<10240xf32, #tpu.memory_space<hbm>>
      tpu.wait_dma2 semaphore(%run_scoped3A : memref<!tpu.dma_semaphore, #tpu.memory_space<semaphore_mem>>) src(%dma_wait3A_59 : memref<10240xf32, #tpu.memory_space<hbm>>) dst(%dma_wait3A_56 : memref<10240xf32, #tpu.memory_space<vmem>>)
      tpu.yield
    }) : () -> ()
    "tpu.region"() ({
      %run_scoped3A = tpu.sem_alloc : memref<!tpu.dma_semaphore, #tpu.memory_space<semaphore_mem>>
      %dma_start3A = arith.constant 0 : i32
      %dma_start3A_42 = tpu.memref_slice %arg11[%dma_start3A] : memref<656xf32, #tpu.memory_space<vmem>> -> memref<640xf32, #tpu.memory_space<vmem>>
      %dma_start3A_43 = tpu.memref_slice %arg4[%select_n3A, %mul3A_32] : memref<2x10240xf32, #tpu.memory_space<hbm>> -> memref<1x640xf32, #tpu.memory_space<hbm>>
      %dma_start3A_44 = tpu.memref_squeeze %dma_start3A_43 : memref<1x640xf32, #tpu.memory_space<hbm>> -> memref<640xf32, #tpu.memory_space<hbm>>
      %dma_start3A_45 = arith.constant 0 : i32
      %dma_start3A_46 = tpu.memref_slice %arg11[%dma_start3A_45] : memref<656xf32, #tpu.memory_space<vmem>> -> memref<640xf32, #tpu.memory_space<vmem>>
      %dma_start3A_47 = tpu.memref_slice %arg4[%select_n3A, %mul3A_32] : memref<2x10240xf32, #tpu.memory_space<hbm>> -> memref<1x640xf32, #tpu.memory_space<hbm>>
      %dma_start3A_48 = tpu.memref_squeeze %dma_start3A_47 : memref<1x640xf32, #tpu.memory_space<hbm>> -> memref<640xf32, #tpu.memory_space<hbm>>
      tpu.enqueue_dma source(%dma_start3A_48 : memref<640xf32, #tpu.memory_space<hbm>>) target(%dma_start3A_46 : memref<640xf32, #tpu.memory_space<vmem>>) target_semaphore(%run_scoped3A : memref<!tpu.dma_semaphore, #tpu.memory_space<semaphore_mem>>)
      %dma_wait3A = arith.constant 0 : i32
      %dma_wait3A_49 = tpu.memref_slice %arg11[%dma_wait3A] : memref<656xf32, #tpu.memory_space<vmem>> -> memref<640xf32, #tpu.memory_space<vmem>>
      %dma_wait3A_50 = tpu.memref_slice %arg4[%select_n3A, %mul3A_32] : memref<2x10240xf32, #tpu.memory_space<hbm>> -> memref<1x640xf32, #tpu.memory_space<hbm>>
      %dma_wait3A_51 = tpu.memref_squeeze %dma_wait3A_50 : memref<1x640xf32, #tpu.memory_space<hbm>> -> memref<640xf32, #tpu.memory_space<hbm>>
      %dma_wait3A_52 = arith.constant 0 : i32
      %dma_wait3A_53 = tpu.memref_slice %arg11[%dma_wait3A_52] : memref<656xf32, #tpu.memory_space<vmem>> -> memref<640xf32, #tpu.memory_space<vmem>>
      %dma_wait3A_54 = tpu.memref_slice %arg4[%select_n3A, %mul3A_32] : memref<2x10240xf32, #tpu.memory_space<hbm>> -> memref<1x640xf32, #tpu.memory_space<hbm>>
      %dma_wait3A_55 = tpu.memref_squeeze %dma_wait3A_54 : memref<1x640xf32, #tpu.memory_space<hbm>> -> memref<640xf32, #tpu.memory_space<hbm>>
      tpu.wait_dma2 semaphore(%run_scoped3A : memref<!tpu.dma_semaphore, #tpu.memory_space<semaphore_mem>>) src(%dma_wait3A_55 : memref<640xf32, #tpu.memory_space<hbm>>) dst(%dma_wait3A_53 : memref<640xf32, #tpu.memory_space<vmem>>)
      tpu.yield
    }) : () -> ()
    "tpu.region"() ({
      %run_scoped3A = tpu.sem_alloc : memref<!tpu.dma_semaphore, #tpu.memory_space<semaphore_mem>>
      tpu.enqueue_dma source(%arg7 : memref<5x128xf32, #tpu.memory_space<hbm>>) target(%arg12 : memref<5x128xf32, #tpu.memory_space<vmem>>) target_semaphore(%run_scoped3A : memref<!tpu.dma_semaphore, #tpu.memory_space<semaphore_mem>>)
      tpu.wait_dma2 semaphore(%run_scoped3A : memref<!tpu.dma_semaphore, #tpu.memory_space<semaphore_mem>>) src(%arg7 : memref<5x128xf32, #tpu.memory_space<hbm>>) dst(%arg12 : memref<5x128xf32, #tpu.memory_space<vmem>>)
      tpu.yield
    }) : () -> ()
    %iota3A = tpu.iota {dimensions = array<i32: 0>} : vector<16xi32>
    %eq3A_35 = arith.constant 0 : i32
    %eq3A_36 = vector.broadcast %eq3A_35 : i32 to vector<16xi32>
    %eq3A_37 = arith.cmpi eq, %iota3A, %eq3A_36 : vector<16xi32>
    %scan3A = arith.constant 0 : i32
    %scan3A_38 = arith.constant 80 : i32
    %scan3A_39 = arith.addi %scan3A, %scan3A_38 : i32
    %scan3A_40 = arith.constant 1 : i32
    scf.for %scan3A_42 = %scan3A to %scan3A_39 step %scan3A_40  : i32 {
      %mul3A_43 = arith.constant 8 : i32
      %mul3A_44 = arith.muli %scan3A_42, %mul3A_43 : i32
      %scan3A_45 = arith.constant 0 : i32
      %scan3A_46 = arith.constant 8 : i32
      %scan3A_47 = arith.addi %scan3A_45, %scan3A_46 : i32
      %scan3A_48 = arith.constant 1 : i32
      scf.for %scan3A_92 = %scan3A_45 to %scan3A_47 step %scan3A_48  : i32 {
        %add3A_93 = arith.addi %mul3A_44, %scan3A_92 : i32
        %get3A_94 = arith.index_cast %add3A_93 : i32 to index
        %get3A_95 = arith.constant 0 : index
        %get3A_96 = tpu.vector_load %arg9[%get3A_94, %get3A_95] {strides = array<i32>} : memref<640x16xi32, #tpu.memory_space<vmem>>, vector<16xi32>,
        %max3A = arith.constant 0 : i32
        %max3A_97 = vector.broadcast %max3A : i32 to vector<16xi32>
        %max3A_98 = arith.maxsi %get3A_96, %max3A_97 : vector<16xi32>
        %min3A_99 = arith.constant 9999 : i32
        %min3A_100 = vector.broadcast %min3A_99 : i32 to vector<16xi32>
        %min3A_101 = arith.minsi %max3A_98, %min3A_100 : vector<16xi32>
        %add3A_102 = vector.broadcast %mul3A_34 : i32 to vector<16xi32>
        %add3A_103 = arith.addi %min3A_101, %add3A_102 : vector<16xi32>
        %mul3A_104 = arith.constant 16 : i32
        %mul3A_105 = arith.muli %scan3A_92, %mul3A_104 : i32
        %swap3A_106 = arith.index_cast %mul3A_105 : i32 to index
        %swap3A_107 = tpu.vector_load %arg14[%swap3A_106] {strides = array<i32>} : memref<128xi32, #tpu.memory_space<vmem>>, vector<16xi32>,
        tpu.vector_store %arg14[%swap3A_106], %add3A_103 {strides = array<i32>} : memref<128xi32, #tpu.memory_space<vmem>>, vector<16xi32>,
      }
      %scan3A_49 = arith.constant 8 : i32
      %dma_start3A = arith.constant 0 : i32
      %dma_start3A_50 = arith.constant 0 : i32
      %dma_start3A_51 = tpu.memref_slice %arg2[%dma_start3A, %dma_start3A_50] : memref<20000x128xf32, #tpu.memory_space<hbm>> -> memref<20000x128xf32, #tpu.memory_space<hbm>>
      tpu.enqueue_indirect_dma source(%dma_start3A_51 : memref<20000x128xf32, #tpu.memory_space<hbm>>) target(%arg15 : memref<128x128xf32, #tpu.memory_space<vmem>>) offsets(%arg14 : memref<128xi32, #tpu.memory_space<vmem>>) semaphore(%arg21 : memref<!tpu.dma_semaphore, #tpu.memory_space<semaphore_mem>>)
      %add3A_52 = arith.addi %mul3A_34, %mul3A_32 : i32
      %add3A_53 = arith.addi %add3A_52, %mul3A_44 : i32
      %min3A = arith.constant 19992 : i32
      %min3A_54 = arith.minsi %add3A_53, %min3A : i32
      "tpu.region"() ({
        %run_scoped3A = tpu.sem_alloc : memref<!tpu.dma_semaphore, #tpu.memory_space<semaphore_mem>>
        %dma_start3A_92 = arith.constant 0 : i32
        %dma_start3A_93 = tpu.memref_slice %arg2[%min3A_54, %dma_start3A_92] : memref<20000x128xf32, #tpu.memory_space<hbm>> -> memref<8x128xf32, #tpu.memory_space<hbm>>
        %dma_start3A_94 = arith.constant 0 : i32
        %dma_start3A_95 = tpu.memref_slice %arg2[%min3A_54, %dma_start3A_94] : memref<20000x128xf32, #tpu.memory_space<hbm>> -> memref<8x128xf32, #tpu.memory_space<hbm>>
        tpu.enqueue_dma source(%dma_start3A_95 : memref<8x128xf32, #tpu.memory_space<hbm>>) target(%arg16 : memref<8x128xf32, #tpu.memory_space<vmem>>) target_semaphore(%run_scoped3A : memref<!tpu.dma_semaphore, #tpu.memory_space<semaphore_mem>>)
        %dma_wait3A_96 = arith.constant 0 : i32
        %dma_wait3A_97 = tpu.memref_slice %arg2[%min3A_54, %dma_wait3A_96] : memref<20000x128xf32, #tpu.memory_space<hbm>> -> memref<8x128xf32, #tpu.memory_space<hbm>>
        %dma_wait3A_98 = arith.constant 0 : i32
        %dma_wait3A_99 = tpu.memref_slice %arg2[%min3A_54, %dma_wait3A_98] : memref<20000x128xf32, #tpu.memory_space<hbm>> -> memref<8x128xf32, #tpu.memory_space<hbm>>
        tpu.wait_dma2 semaphore(%run_scoped3A : memref<!tpu.dma_semaphore, #tpu.memory_space<semaphore_mem>>) src(%dma_wait3A_99 : memref<8x128xf32, #tpu.memory_space<hbm>>) dst(%arg16 : memref<8x128xf32, #tpu.memory_space<vmem>>)
        tpu.yield
      }) : () -> ()
      %add3A_55 = arith.addi %mul3A_32, %mul3A_44 : i32
      %min3A_56 = arith.constant 9992 : i32
      %min3A_57 = arith.minsi %add3A_55, %min3A_56 : i32
      "tpu.region"() ({
        %run_scoped3A = tpu.sem_alloc : memref<!tpu.dma_semaphore, #tpu.memory_space<semaphore_mem>>
        %dma_start3A_92 = arith.constant 0 : i32
        %dma_start3A_93 = tpu.memref_slice %arg6[%min3A_57, %dma_start3A_92] : memref<10000x128xf32, #tpu.memory_space<hbm>> -> memref<8x128xf32, #tpu.memory_space<hbm>>
        %dma_start3A_94 = arith.constant 0 : i32
        %dma_start3A_95 = tpu.memref_slice %arg6[%min3A_57, %dma_start3A_94] : memref<10000x128xf32, #tpu.memory_space<hbm>> -> memref<8x128xf32, #tpu.memory_space<hbm>>
        tpu.enqueue_dma source(%dma_start3A_95 : memref<8x128xf32, #tpu.memory_space<hbm>>) target(%arg17 : memref<8x128xf32, #tpu.memory_space<vmem>>) target_semaphore(%run_scoped3A : memref<!tpu.dma_semaphore, #tpu.memory_space<semaphore_mem>>)
        %dma_wait3A_96 = arith.constant 0 : i32
        %dma_wait3A_97 = tpu.memref_slice %arg6[%min3A_57, %dma_wait3A_96] : memref<10000x128xf32, #tpu.memory_space<hbm>> -> memref<8x128xf32, #tpu.memory_space<hbm>>
        %dma_wait3A_98 = arith.constant 0 : i32
        %dma_wait3A_99 = tpu.memref_slice %arg6[%min3A_57, %dma_wait3A_98] : memref<10000x128xf32, #tpu.memory_space<hbm>> -> memref<8x128xf32, #tpu.memory_space<hbm>>
        tpu.wait_dma2 semaphore(%run_scoped3A : memref<!tpu.dma_semaphore, #tpu.memory_space<semaphore_mem>>) src(%dma_wait3A_99 : memref<8x128xf32, #tpu.memory_space<hbm>>) dst(%arg17 : memref<8x128xf32, #tpu.memory_space<vmem>>)
        tpu.yield
      }) : () -> ()
      %get3A = arith.index_cast %mul3A_44 : i32 to index
      %get3A_58 = tpu.vector_load %arg11[%get3A] {strides = array<i32>} : memref<656xf32, #tpu.memory_space<vmem>>, vector<16xf32>,
      %add3A_59 = arith.addi %mul3A_32, %mul3A_44 : i32
      %get3A_60 = arith.index_cast %add3A_59 : i32 to index
      %get3A_61 = tpu.vector_load %arg10[%get3A_60] {strides = array<i32>} : memref<10256xf32, #tpu.memory_space<vmem>>, vector<16xf32>,
      %add3A_62 = arith.addf %get3A_58, %get3A_61 : vector<16xf32>
      %gt3A = arith.constant 0.000000e+00 : f32
      %gt3A_63 = vector.broadcast %gt3A : f32 to vector<16xf32>
      %gt3A_64 = arith.cmpf ogt, %add3A_62, %gt3A_63 : vector<16xf32>
      %mul3A_65 = arith.constant 2.000000e-01 : f32
      %mul3A_66 = vector.broadcast %mul3A_65 : f32 to vector<16xf32>
      %mul3A_67 = arith.mulf %mul3A_66, %add3A_62 : vector<16xf32>
      %select_n3A_68 = arith.select %gt3A_64, %add3A_62, %mul3A_67 : vector<16xi1>, vector<16xf32>
      %swap3A = arith.constant 0 : index
      %swap3A_69 = tpu.vector_load %arg13[%swap3A] {strides = array<i32>} : memref<16xf32, #tpu.memory_space<vmem>>, vector<16xf32>,
      tpu.vector_store %arg13[%swap3A], %select_n3A_68 {strides = array<i32>} : memref<16xf32, #tpu.memory_space<vmem>>, vector<16xf32>,
      %scan3A_70 = arith.constant 0 : i32
      %scan3A_71 = arith.constant 8 : i32
      %scan3A_72 = arith.addi %scan3A_70, %scan3A_71 : i32
      %scan3A_73 = arith.constant 1 : i32
      scf.for %scan3A_92 = %scan3A_70 to %scan3A_72 step %scan3A_73  : i32 {
        %add3A_93 = arith.addi %mul3A_44, %scan3A_92 : i32
        %get3A_94 = arith.index_cast %add3A_93 : i32 to index
        %get3A_95 = arith.constant 0 : index
        %get3A_96 = tpu.vector_load %arg9[%get3A_94, %get3A_95] {strides = array<i32>} : memref<640x16xi32, #tpu.memory_space<vmem>>, vector<16xi32>,
        %max3A = arith.constant 0 : i32
        %max3A_97 = vector.broadcast %max3A : i32 to vector<16xi32>
        %max3A_98 = arith.maxsi %get3A_96, %max3A_97 : vector<16xi32>
        %min3A_99 = arith.constant 9999 : i32
        %min3A_100 = vector.broadcast %min3A_99 : i32 to vector<16xi32>
        %min3A_101 = arith.minsi %max3A_98, %min3A_100 : vector<16xi32>
        %gather3A = tpu.vector_load_idx %arg10[%min3A_101] : memref<10256xf32, #tpu.memory_space<vmem>>[vector<16xi32>], vector<16xf32>,
        %add3A_102 = arith.addi %mul3A_44, %scan3A_92 : i32
        %broadcast_in_dim3A = arith.constant 0 : i32
        %broadcast_in_dim3A_103 = vector.broadcast %broadcast_in_dim3A : i32 to vector<16xi32>
        %add3A_104 = vector.broadcast %add3A_102 : i32 to vector<16xi32>
        %add3A_105 = arith.addi %broadcast_in_dim3A_103, %add3A_104 : vector<16xi32>
        %gather3A_106 = tpu.vector_load_idx %arg11[%add3A_105] : memref<656xf32, #tpu.memory_space<vmem>>[vector<16xi32>], vector<16xf32>,
        %add3A_107 = arith.addf %gather3A_106, %gather3A : vector<16xf32>
        %gt3A_108 = arith.constant 0.000000e+00 : f32
        %gt3A_109 = vector.broadcast %gt3A_108 : f32 to vector<16xf32>
        %gt3A_110 = arith.cmpf ogt, %add3A_107, %gt3A_109 : vector<16xf32>
        %mul3A_111 = arith.constant 2.000000e-01 : f32
        %mul3A_112 = vector.broadcast %mul3A_111 : f32 to vector<16xf32>
        %mul3A_113 = arith.mulf %mul3A_112, %add3A_107 : vector<16xf32>
        %select_n3A_114 = arith.select %gt3A_110, %add3A_107, %mul3A_113 : vector<16xi1>, vector<16xf32>
        %add3A_115 = arith.addi %mul3A_32, %mul3A_44 : i32
        %add3A_116 = arith.addi %add3A_115, %scan3A_92 : i32
        %broadcast_in_dim3A_117 = arith.constant 0 : i32
        %broadcast_in_dim3A_118 = vector.broadcast %broadcast_in_dim3A_117 : i32 to vector<16xi32>
        %add3A_119 = vector.broadcast %add3A_116 : i32 to vector<16xi32>
        %add3A_120 = arith.addi %broadcast_in_dim3A_118, %add3A_119 : vector<16xi32>
        %eq3A_121 = arith.cmpi eq, %get3A_96, %add3A_120 : vector<16xi32>
        %jit3A_122 = arith.constant -1.000000e+30 : f32
        %broadcast_in_dim3A_123 = vector.broadcast %jit3A_122 : f32 to vector<16xf32>
        %select_n3A_124 = arith.select %eq3A_121, %broadcast_in_dim3A_123, %select_n3A_114 : vector<16xi1>, vector<16xf32>
        %broadcast_in_dim3A_125 = arith.constant 0 : i32
        %broadcast_in_dim3A_126 = vector.broadcast %broadcast_in_dim3A_125 : i32 to vector<16xi32>
        %add3A_127 = vector.broadcast %scan3A_92 : i32 to vector<16xi32>
        %add3A_128 = arith.addi %broadcast_in_dim3A_126, %add3A_127 : vector<16xi32>
        %gather3A_129 = tpu.vector_load_idx %arg13[%add3A_128] : memref<16xf32, #tpu.memory_space<vmem>>[vector<16xi32>], vector<16xf32>,
        %max3A_130 = arith.maximumf %select_n3A_124, %gather3A_129 : vector<16xf32>
        %reduce_max3A = arith.constant true
        %reduce_max3A_131 = vector.broadcast %reduce_max3A : i1 to vector<16xi1>
        %reduce_max3A_132 = tpu.scan <max>, %max3A_130 masked %reduce_max3A_131 : vector<16xf32>, vector<16xi1> -> vector<16xf32>
        %reduce_max3A_133 = vector.extract %reduce_max3A_132[15] : f32 from vector<16xf32>
        %sub3A_134 = vector.broadcast %reduce_max3A_133 : f32 to vector<16xf32>
        %sub3A_135 = arith.subf %select_n3A_124, %sub3A_134 : vector<16xf32>
        %exp3A = math.exp %sub3A_135 : vector<16xf32>
        %jit3A_136 = arith.constant 0.000000e+00 : f32
        %broadcast_in_dim3A_137 = vector.broadcast %jit3A_136 : f32 to vector<16xf32>
        %select_n3A_138 = arith.select %eq3A_121, %broadcast_in_dim3A_137, %exp3A : vector<16xi1>, vector<16xf32>
        %sub3A_139 = vector.broadcast %reduce_max3A_133 : f32 to vector<16xf32>
        %sub3A_140 = arith.subf %gather3A_129, %sub3A_139 : vector<16xf32>
        %exp3A_141 = math.exp %sub3A_140 : vector<16xf32>
        %reduce_sum3A = arith.constant true
        %reduce_sum3A_142 = vector.broadcast %reduce_sum3A : i1 to vector<16xi1>
        %reduce_sum3A_143 = tpu.scan <sum>, %select_n3A_138 masked %reduce_sum3A_142 : vector<16xf32>, vector<16xi1> -> vector<16xf32>
        %reduce_sum3A_144 = vector.extract %reduce_sum3A_143[15] : f32 from vector<16xf32>
        %reduce_max3A_145 = arith.constant true
        %reduce_max3A_146 = vector.broadcast %reduce_max3A_145 : i1 to vector<16xi1>
        %reduce_max3A_147 = tpu.scan <max>, %exp3A_141 masked %reduce_max3A_146 : vector<16xf32>, vector<16xi1> -> vector<16xf32>
        %reduce_max3A_148 = vector.extract %reduce_max3A_147[15] : f32 from vector<16xf32>
        %add3A_149 = arith.addf %reduce_sum3A_144, %reduce_max3A_148 : f32
        %add3A_150 = arith.constant 1.000000e-16 : f32
        %add3A_151 = arith.addf %add3A_149, %add3A_150 : f32
        %broadcast_in_dim3A_152 = arith.constant 0.000000e+00 : f32
        %broadcast_in_dim3A_153 = vector.broadcast %broadcast_in_dim3A_152 : f32 to vector<16xf32>
        %add3A_154 = vector.broadcast %add3A_151 : f32 to vector<16xf32>
        %add3A_155 = arith.addf %broadcast_in_dim3A_153, %add3A_154 : vector<16xf32>
        %div3A_156 = arith.divf %select_n3A_138, %add3A_155 : vector<16xf32>
        %mul3A_157 = arith.constant 16 : i32
        %mul3A_158 = arith.muli %scan3A_92, %mul3A_157 : i32
        %swap3A_159 = arith.index_cast %mul3A_158 : i32 to index
        %swap3A_160 = tpu.vector_load %arg18[%swap3A_159] {strides = array<i32>} : memref<128xf32, #tpu.memory_space<vmem>>, vector<16xf32>,
        tpu.vector_store %arg18[%swap3A_159], %div3A_156 {strides = array<i32>} : memref<128xf32, #tpu.memory_space<vmem>>, vector<16xf32>,
        %broadcast_in_dim3A_161 = arith.constant 0 : i32
        %broadcast_in_dim3A_162 = vector.broadcast %broadcast_in_dim3A_161 : i32 to vector<16xi32>
        %add3A_163 = vector.broadcast %scan3A_92 : i32 to vector<16xi32>
        %add3A_164 = arith.addi %broadcast_in_dim3A_162, %add3A_163 : vector<16xi32>
        %div3A_165 = arith.divf %exp3A_141, %add3A_155 : vector<16xf32>
        tpu.vector_store_idx %arg19[%add3A_164], %div3A_165 masked %eq3A_37 : memref<16xf32, #tpu.memory_space<vmem>>[vector<16xi32>], vector<16xf32>, vector<16xi1>
      }
      %scan3A_74 = arith.constant 8 : i32
      %dma_wait3A = arith.constant 0 : i32
      %dma_wait3A_75 = arith.constant 0 : i32
      %dma_wait3A_76 = tpu.memref_slice %arg2[%dma_wait3A, %dma_wait3A_75] : memref<20000x128xf32, #tpu.memory_space<hbm>> -> memref<20000x128xf32, #tpu.memory_space<hbm>>
      tpu.wait_indirect_dma semaphore(%arg21 : memref<!tpu.dma_semaphore, #tpu.memory_space<semaphore_mem>>) src(%dma_wait3A_76 : memref<20000x128xf32, #tpu.memory_space<hbm>>) dst(%arg15 : memref<128x128xf32, #tpu.memory_space<vmem>>)
      %scan3A_77 = arith.constant 0 : i32
      %scan3A_78 = arith.constant 8 : i32
      %scan3A_79 = arith.addi %scan3A_77, %scan3A_78 : i32
      %scan3A_80 = arith.constant 1 : i32
      scf.for %scan3A_92 = %scan3A_77 to %scan3A_79 step %scan3A_80  : i32 {
        %broadcast_in_dim3A = arith.constant 0.000000e+00 : f32
        %broadcast_in_dim3A_93 = vector.broadcast %broadcast_in_dim3A : f32 to vector<16xf32>
        %broadcast_in_dim3A_94 = arith.constant 0.000000e+00 : f32
        %broadcast_in_dim3A_95 = vector.broadcast %broadcast_in_dim3A_94 : f32 to vector<16xf32>
        %broadcast_in_dim3A_96 = arith.constant 0.000000e+00 : f32
        %broadcast_in_dim3A_97 = vector.broadcast %broadcast_in_dim3A_96 : f32 to vector<16xf32>
        %broadcast_in_dim3A_98 = arith.constant 0.000000e+00 : f32
        %broadcast_in_dim3A_99 = vector.broadcast %broadcast_in_dim3A_98 : f32 to vector<16xf32>
        %broadcast_in_dim3A_100 = arith.constant 0.000000e+00 : f32
        %broadcast_in_dim3A_101 = vector.broadcast %broadcast_in_dim3A_100 : f32 to vector<16xf32>
        %broadcast_in_dim3A_102 = arith.constant 0.000000e+00 : f32
        %broadcast_in_dim3A_103 = vector.broadcast %broadcast_in_dim3A_102 : f32 to vector<16xf32>
        %broadcast_in_dim3A_104 = arith.constant 0.000000e+00 : f32
        %broadcast_in_dim3A_105 = vector.broadcast %broadcast_in_dim3A_104 : f32 to vector<16xf32>
        %broadcast_in_dim3A_106 = arith.constant 0.000000e+00 : f32
        %broadcast_in_dim3A_107 = vector.broadcast %broadcast_in_dim3A_106 : f32 to vector<16xf32>
        %scan3A_108 = arith.constant 0 : i32
        %scan3A_109 = arith.constant 16 : i32
        %scan3A_110 = arith.addi %scan3A_108, %scan3A_109 : i32
        %scan3A_111 = arith.constant 1 : i32
        %scan3A_112:8 = scf.for %scan3A_394 = %scan3A_108 to %scan3A_110 step %scan3A_111 iter_args(%scan3A_395 = %broadcast_in_dim3A_93, %scan3A_396 = %broadcast_in_dim3A_95, %scan3A_397 = %broadcast_in_dim3A_97, %scan3A_398 = %broadcast_in_dim3A_99, %scan3A_399 = %broadcast_in_dim3A_101, %scan3A_400 = %broadcast_in_dim3A_103, %scan3A_401 = %broadcast_in_dim3A_105, %scan3A_402 = %broadcast_in_dim3A_107) -> (vector<16xf32>, vector<16xf32>, vector<16xf32>, vector<16xf32>, vector<16xf32>, vector<16xf32>, vector<16xf32>, vector<16xf32>)  : i32 {
          %mul3A_403 = arith.constant 16 : i32
          %mul3A_404 = arith.muli %scan3A_92, %mul3A_403 : i32
          %add3A_405 = arith.addi %mul3A_404, %scan3A_394 : i32
          %broadcast_in_dim3A_406 = arith.constant 0 : i32
          %broadcast_in_dim3A_407 = vector.broadcast %broadcast_in_dim3A_406 : i32 to vector<16xi32>
          %add3A_408 = vector.broadcast %add3A_405 : i32 to vector<16xi32>
          %add3A_409 = arith.addi %broadcast_in_dim3A_407, %add3A_408 : vector<16xi32>
          %gather3A_410 = tpu.vector_load_idx %arg18[%add3A_409] : memref<128xf32, #tpu.memory_space<vmem>>[vector<16xi32>], vector<16xf32>,
          %get3A_411 = arith.index_cast %add3A_405 : i32 to index
          %get3A_412 = arith.constant 0 : index
          %get3A_413 = tpu.vector_load %arg15[%get3A_411, %get3A_412] {strides = array<i32>} : memref<128x128xf32, #tpu.memory_space<vmem>>, vector<16xf32>,
          %mul3A_414 = arith.mulf %gather3A_410, %get3A_413 : vector<16xf32>
          %add3A_415 = arith.addf %scan3A_395, %mul3A_414 : vector<16xf32>
          %get3A_416 = arith.index_cast %add3A_405 : i32 to index
          %get3A_417 = arith.constant 16 : index
          %get3A_418 = tpu.vector_load %arg15[%get3A_416, %get3A_417] {strides = array<i32>} : memref<128x128xf32, #tpu.memory_space<vmem>>, vector<16xf32>,
          %mul3A_419 = arith.mulf %gather3A_410, %get3A_418 : vector<16xf32>
          %add3A_420 = arith.addf %scan3A_396, %mul3A_419 : vector<16xf32>
          %get3A_421 = arith.index_cast %add3A_405 : i32 to index
          %get3A_422 = arith.constant 32 : index
          %get3A_423 = tpu.vector_load %arg15[%get3A_421, %get3A_422] {strides = array<i32>} : memref<128x128xf32, #tpu.memory_space<vmem>>, vector<16xf32>,
          %mul3A_424 = arith.mulf %gather3A_410, %get3A_423 : vector<16xf32>
          %add3A_425 = arith.addf %scan3A_397, %mul3A_424 : vector<16xf32>
          %get3A_426 = arith.index_cast %add3A_405 : i32 to index
          %get3A_427 = arith.constant 48 : index
          %get3A_428 = tpu.vector_load %arg15[%get3A_426, %get3A_427] {strides = array<i32>} : memref<128x128xf32, #tpu.memory_space<vmem>>, vector<16xf32>,
          %mul3A_429 = arith.mulf %gather3A_410, %get3A_428 : vector<16xf32>
          %add3A_430 = arith.addf %scan3A_398, %mul3A_429 : vector<16xf32>
          %get3A_431 = arith.index_cast %add3A_405 : i32 to index
          %get3A_432 = arith.constant 64 : index
          %get3A_433 = tpu.vector_load %arg15[%get3A_431, %get3A_432] {strides = array<i32>} : memref<128x128xf32, #tpu.memory_space<vmem>>, vector<16xf32>,
          %mul3A_434 = arith.mulf %gather3A_410, %get3A_433 : vector<16xf32>
          %add3A_435 = arith.addf %scan3A_399, %mul3A_434 : vector<16xf32>
          %get3A_436 = arith.index_cast %add3A_405 : i32 to index
          %get3A_437 = arith.constant 80 : index
          %get3A_438 = tpu.vector_load %arg15[%get3A_436, %get3A_437] {strides = array<i32>} : memref<128x128xf32, #tpu.memory_space<vmem>>, vector<16xf32>,
          %mul3A_439 = arith.mulf %gather3A_410, %get3A_438 : vector<16xf32>
          %add3A_440 = arith.addf %scan3A_400, %mul3A_439 : vector<16xf32>
          %get3A_441 = arith.index_cast %add3A_405 : i32 to index
          %get3A_442 = arith.constant 96 : index
          %get3A_443 = tpu.vector_load %arg15[%get3A_441, %get3A_442] {strides = array<i32>} : memref<128x128xf32, #tpu.memory_space<vmem>>, vector<16xf32>,
          %mul3A_444 = arith.mulf %gather3A_410, %get3A_443 : vector<16xf32>
          %add3A_445 = arith.addf %scan3A_401, %mul3A_444 : vector<16xf32>
          %get3A_446 = arith.index_cast %add3A_405 : i32 to index
          %get3A_447 = arith.constant 112 : index
          %get3A_448 = tpu.vector_load %arg15[%get3A_446, %get3A_447] {strides = array<i32>} : memref<128x128xf32, #tpu.memory_space<vmem>>, vector<16xf32>,
          %mul3A_449 = arith.mulf %gather3A_410, %get3A_448 : vector<16xf32>
          %add3A_450 = arith.addf %scan3A_402, %mul3A_449 : vector<16xf32>
          scf.yield %add3A_415, %add3A_420, %add3A_425, %add3A_430, %add3A_435, %add3A_440, %add3A_445, %add3A_450 : vector<16xf32>, vector<16xf32>, vector<16xf32>, vector<16xf32>, vector<16xf32>, vector<16xf32>, vector<16xf32>, vector<16xf32>
        }
        %scan3A_113 = arith.constant 16 : i32
        %broadcast_in_dim3A_114 = arith.constant 0 : i32
        %broadcast_in_dim3A_115 = vector.broadcast %broadcast_in_dim3A_114 : i32 to vector<16xi32>
        %add3A_116 = vector.broadcast %scan3A_92 : i32 to vector<16xi32>
        %add3A_117 = arith.addi %broadcast_in_dim3A_115, %add3A_116 : vector<16xi32>
        %gather3A = tpu.vector_load_idx %arg19[%add3A_117] : memref<16xf32, #tpu.memory_space<vmem>>[vector<16xi32>], vector<16xf32>,
        %broadcast_in_dim3A_118 = arith.constant 0.000000e+00 : f32
        %broadcast_in_dim3A_119 = vector.broadcast %broadcast_in_dim3A_118 : f32 to vector<16xf32>
        %get3A_120 = arith.index_cast %scan3A_92 : i32 to index
        %get3A_121 = arith.constant 0 : index
        %get3A_122 = tpu.vector_load %arg16[%get3A_120, %get3A_121] {strides = array<i32>} : memref<8x128xf32, #tpu.memory_space<vmem>>, vector<16xf32>,
        %mul3A_123 = arith.mulf %gather3A, %get3A_122 : vector<16xf32>
        %add3A_124 = arith.addf %scan3A_112#0, %mul3A_123 : vector<16xf32>
        %get3A_125 = arith.constant 0 : i32
        %get3A_126 = arith.index_cast %get3A_125 : i32 to index
        %get3A_127 = arith.constant 0 : index
        %get3A_128 = tpu.vector_load %arg12[%get3A_126, %get3A_127] {strides = array<i32>} : memref<5x128xf32, #tpu.memory_space<vmem>>, vector<16xf32>,
        %add3A_129 = arith.addf %add3A_124, %get3A_128 : vector<16xf32>
        %get3A_130 = arith.index_cast %scan3A_92 : i32 to index
        %get3A_131 = arith.constant 0 : index
        %get3A_132 = tpu.vector_load %arg17[%get3A_130, %get3A_131] {strides = array<i32>} : memref<8x128xf32, #tpu.memory_space<vmem>>, vector<16xf32>,
        %mul3A_133 = arith.mulf %add3A_129, %get3A_132 : vector<16xf32>
        %get3A_134 = arith.constant 1 : i32
        %get3A_135 = arith.index_cast %get3A_134 : i32 to index
        %get3A_136 = arith.constant 0 : index
        %get3A_137 = tpu.vector_load %arg12[%get3A_135, %get3A_136] {strides = array<i32>} : memref<5x128xf32, #tpu.memory_space<vmem>>, vector<16xf32>,
        %mul3A_138 = arith.mulf %mul3A_133, %get3A_137 : vector<16xf32>
        %get3A_139 = arith.constant 2 : i32
        %get3A_140 = arith.index_cast %get3A_139 : i32 to index
        %get3A_141 = arith.constant 0 : index
        %get3A_142 = tpu.vector_load %arg12[%get3A_140, %get3A_141] {strides = array<i32>} : memref<5x128xf32, #tpu.memory_space<vmem>>, vector<16xf32>,
        %add3A_143 = arith.addf %mul3A_138, %get3A_142 : vector<16xf32>
        %max3A = arith.constant 0.000000e+00 : f32
        %max3A_144 = vector.broadcast %max3A : f32 to vector<16xf32>
        %max3A_145 = arith.maximumf %add3A_143, %max3A_144 : vector<16xf32>
        %get3A_146 = arith.constant 3 : i32
        %get3A_147 = arith.index_cast %get3A_146 : i32 to index
        %get3A_148 = arith.constant 0 : index
        %get3A_149 = tpu.vector_load %arg12[%get3A_147, %get3A_148] {strides = array<i32>} : memref<5x128xf32, #tpu.memory_space<vmem>>, vector<16xf32>,
        %mul3A_150 = arith.mulf %max3A_145, %get3A_149 : vector<16xf32>
        %add3A_151 = arith.addf %broadcast_in_dim3A_119, %mul3A_150 : vector<16xf32>
        %get3A_152 = arith.index_cast %scan3A_92 : i32 to index
        %get3A_153 = arith.constant 16 : index
        %get3A_154 = tpu.vector_load %arg16[%get3A_152, %get3A_153] {strides = array<i32>} : memref<8x128xf32, #tpu.memory_space<vmem>>, vector<16xf32>,
        %mul3A_155 = arith.mulf %gather3A, %get3A_154 : vector<16xf32>
        %add3A_156 = arith.addf %scan3A_112#1, %mul3A_155 : vector<16xf32>
        %get3A_157 = arith.constant 0 : i32
        %get3A_158 = arith.index_cast %get3A_157 : i32 to index
        %get3A_159 = arith.constant 16 : index
        %get3A_160 = tpu.vector_load %arg12[%get3A_158, %get3A_159] {strides = array<i32>} : memref<5x128xf32, #tpu.memory_space<vmem>>, vector<16xf32>,
        %add3A_161 = arith.addf %add3A_156, %get3A_160 : vector<16xf32>
        %get3A_162 = arith.index_cast %scan3A_92 : i32 to index
        %get3A_163 = arith.constant 16 : index
        %get3A_164 = tpu.vector_load %arg17[%get3A_162, %get3A_163] {strides = array<i32>} : memref<8x128xf32, #tpu.memory_space<vmem>>, vector<16xf32>,
        %mul3A_165 = arith.mulf %add3A_161, %get3A_164 : vector<16xf32>
        %get3A_166 = arith.constant 1 : i32
        %get3A_167 = arith.index_cast %get3A_166 : i32 to index
        %get3A_168 = arith.constant 16 : index
        %get3A_169 = tpu.vector_load %arg12[%get3A_167, %get3A_168] {strides = array<i32>} : memref<5x128xf32, #tpu.memory_space<vmem>>, vector<16xf32>,
        %mul3A_170 = arith.mulf %mul3A_165, %get3A_169 : vector<16xf32>
        %get3A_171 = arith.constant 2 : i32
        %get3A_172 = arith.index_cast %get3A_171 : i32 to index
        %get3A_173 = arith.constant 16 : index
        %get3A_174 = tpu.vector_load %arg12[%get3A_172, %get3A_173] {strides = array<i32>} : memref<5x128xf32, #tpu.memory_space<vmem>>, vector<16xf32>,
        %add3A_175 = arith.addf %mul3A_170, %get3A_174 : vector<16xf32>
        %max3A_176 = arith.constant 0.000000e+00 : f32
        %max3A_177 = vector.broadcast %max3A_176 : f32 to vector<16xf32>
        %max3A_178 = arith.maximumf %add3A_175, %max3A_177 : vector<16xf32>
        %get3A_179 = arith.constant 3 : i32
        %get3A_180 = arith.index_cast %get3A_179 : i32 to index
        %get3A_181 = arith.constant 16 : index
        %get3A_182 = tpu.vector_load %arg12[%get3A_180, %get3A_181] {strides = array<i32>} : memref<5x128xf32, #tpu.memory_space<vmem>>, vector<16xf32>,
        %mul3A_183 = arith.mulf %max3A_178, %get3A_182 : vector<16xf32>
        %add3A_184 = arith.addf %add3A_151, %mul3A_183 : vector<16xf32>
        %get3A_185 = arith.index_cast %scan3A_92 : i32 to index
        %get3A_186 = arith.constant 32 : index
        %get3A_187 = tpu.vector_load %arg16[%get3A_185, %get3A_186] {strides = array<i32>} : memref<8x128xf32, #tpu.memory_space<vmem>>, vector<16xf32>,
        %mul3A_188 = arith.mulf %gather3A, %get3A_187 : vector<16xf32>
        %add3A_189 = arith.addf %scan3A_112#2, %mul3A_188 : vector<16xf32>
        %get3A_190 = arith.constant 0 : i32
        %get3A_191 = arith.index_cast %get3A_190 : i32 to index
        %get3A_192 = arith.constant 32 : index
        %get3A_193 = tpu.vector_load %arg12[%get3A_191, %get3A_192] {strides = array<i32>} : memref<5x128xf32, #tpu.memory_space<vmem>>, vector<16xf32>,
        %add3A_194 = arith.addf %add3A_189, %get3A_193 : vector<16xf32>
        %get3A_195 = arith.index_cast %scan3A_92 : i32 to index
        %get3A_196 = arith.constant 32 : index
        %get3A_197 = tpu.vector_load %arg17[%get3A_195, %get3A_196] {strides = array<i32>} : memref<8x128xf32, #tpu.memory_space<vmem>>, vector<16xf32>,
        %mul3A_198 = arith.mulf %add3A_194, %get3A_197 : vector<16xf32>
        %get3A_199 = arith.constant 1 : i32
        %get3A_200 = arith.index_cast %get3A_199 : i32 to index
        %get3A_201 = arith.constant 32 : index
        %get3A_202 = tpu.vector_load %arg12[%get3A_200, %get3A_201] {strides = array<i32>} : memref<5x128xf32, #tpu.memory_space<vmem>>, vector<16xf32>,
        %mul3A_203 = arith.mulf %mul3A_198, %get3A_202 : vector<16xf32>
        %get3A_204 = arith.constant 2 : i32
        %get3A_205 = arith.index_cast %get3A_204 : i32 to index
        %get3A_206 = arith.constant 32 : index
        %get3A_207 = tpu.vector_load %arg12[%get3A_205, %get3A_206] {strides = array<i32>} : memref<5x128xf32, #tpu.memory_space<vmem>>, vector<16xf32>,
        %add3A_208 = arith.addf %mul3A_203, %get3A_207 : vector<16xf32>
        %max3A_209 = arith.constant 0.000000e+00 : f32
        %max3A_210 = vector.broadcast %max3A_209 : f32 to vector<16xf32>
        %max3A_211 = arith.maximumf %add3A_208, %max3A_210 : vector<16xf32>
        %get3A_212 = arith.constant 3 : i32
        %get3A_213 = arith.index_cast %get3A_212 : i32 to index
        %get3A_214 = arith.constant 32 : index
        %get3A_215 = tpu.vector_load %arg12[%get3A_213, %get3A_214] {strides = array<i32>} : memref<5x128xf32, #tpu.memory_space<vmem>>, vector<16xf32>,
        %mul3A_216 = arith.mulf %max3A_211, %get3A_215 : vector<16xf32>
        %add3A_217 = arith.addf %add3A_184, %mul3A_216 : vector<16xf32>
        %get3A_218 = arith.index_cast %scan3A_92 : i32 to index
        %get3A_219 = arith.constant 48 : index
        %get3A_220 = tpu.vector_load %arg16[%get3A_218, %get3A_219] {strides = array<i32>} : memref<8x128xf32, #tpu.memory_space<vmem>>, vector<16xf32>,
        %mul3A_221 = arith.mulf %gather3A, %get3A_220 : vector<16xf32>
        %add3A_222 = arith.addf %scan3A_112#3, %mul3A_221 : vector<16xf32>
        %get3A_223 = arith.constant 0 : i32
        %get3A_224 = arith.index_cast %get3A_223 : i32 to index
        %get3A_225 = arith.constant 48 : index
        %get3A_226 = tpu.vector_load %arg12[%get3A_224, %get3A_225] {strides = array<i32>} : memref<5x128xf32, #tpu.memory_space<vmem>>, vector<16xf32>,
        %add3A_227 = arith.addf %add3A_222, %get3A_226 : vector<16xf32>
        %get3A_228 = arith.index_cast %scan3A_92 : i32 to index
        %get3A_229 = arith.constant 48 : index
        %get3A_230 = tpu.vector_load %arg17[%get3A_228, %get3A_229] {strides = array<i32>} : memref<8x128xf32, #tpu.memory_space<vmem>>, vector<16xf32>,
        %mul3A_231 = arith.mulf %add3A_227, %get3A_230 : vector<16xf32>
        %get3A_232 = arith.constant 1 : i32
        %get3A_233 = arith.index_cast %get3A_232 : i32 to index
        %get3A_234 = arith.constant 48 : index
        %get3A_235 = tpu.vector_load %arg12[%get3A_233, %get3A_234] {strides = array<i32>} : memref<5x128xf32, #tpu.memory_space<vmem>>, vector<16xf32>,
        %mul3A_236 = arith.mulf %mul3A_231, %get3A_235 : vector<16xf32>
        %get3A_237 = arith.constant 2 : i32
        %get3A_238 = arith.index_cast %get3A_237 : i32 to index
        %get3A_239 = arith.constant 48 : index
        %get3A_240 = tpu.vector_load %arg12[%get3A_238, %get3A_239] {strides = array<i32>} : memref<5x128xf32, #tpu.memory_space<vmem>>, vector<16xf32>,
        %add3A_241 = arith.addf %mul3A_236, %get3A_240 : vector<16xf32>
        %max3A_242 = arith.constant 0.000000e+00 : f32
        %max3A_243 = vector.broadcast %max3A_242 : f32 to vector<16xf32>
        %max3A_244 = arith.maximumf %add3A_241, %max3A_243 : vector<16xf32>
        %get3A_245 = arith.constant 3 : i32
        %get3A_246 = arith.index_cast %get3A_245 : i32 to index
        %get3A_247 = arith.constant 48 : index
        %get3A_248 = tpu.vector_load %arg12[%get3A_246, %get3A_247] {strides = array<i32>} : memref<5x128xf32, #tpu.memory_space<vmem>>, vector<16xf32>,
        %mul3A_249 = arith.mulf %max3A_244, %get3A_248 : vector<16xf32>
        %add3A_250 = arith.addf %add3A_217, %mul3A_249 : vector<16xf32>
        %get3A_251 = arith.index_cast %scan3A_92 : i32 to index
        %get3A_252 = arith.constant 64 : index
        %get3A_253 = tpu.vector_load %arg16[%get3A_251, %get3A_252] {strides = array<i32>} : memref<8x128xf32, #tpu.memory_space<vmem>>, vector<16xf32>,
        %mul3A_254 = arith.mulf %gather3A, %get3A_253 : vector<16xf32>
        %add3A_255 = arith.addf %scan3A_112#4, %mul3A_254 : vector<16xf32>
        %get3A_256 = arith.constant 0 : i32
        %get3A_257 = arith.index_cast %get3A_256 : i32 to index
        %get3A_258 = arith.constant 64 : index
        %get3A_259 = tpu.vector_load %arg12[%get3A_257, %get3A_258] {strides = array<i32>} : memref<5x128xf32, #tpu.memory_space<vmem>>, vector<16xf32>,
        %add3A_260 = arith.addf %add3A_255, %get3A_259 : vector<16xf32>
        %get3A_261 = arith.index_cast %scan3A_92 : i32 to index
        %get3A_262 = arith.constant 64 : index
        %get3A_263 = tpu.vector_load %arg17[%get3A_261, %get3A_262] {strides = array<i32>} : memref<8x128xf32, #tpu.memory_space<vmem>>, vector<16xf32>,
        %mul3A_264 = arith.mulf %add3A_260, %get3A_263 : vector<16xf32>
        %get3A_265 = arith.constant 1 : i32
        %get3A_266 = arith.index_cast %get3A_265 : i32 to index
        %get3A_267 = arith.constant 64 : index
        %get3A_268 = tpu.vector_load %arg12[%get3A_266, %get3A_267] {strides = array<i32>} : memref<5x128xf32, #tpu.memory_space<vmem>>, vector<16xf32>,
        %mul3A_269 = arith.mulf %mul3A_264, %get3A_268 : vector<16xf32>
        %get3A_270 = arith.constant 2 : i32
        %get3A_271 = arith.index_cast %get3A_270 : i32 to index
        %get3A_272 = arith.constant 64 : index
        %get3A_273 = tpu.vector_load %arg12[%get3A_271, %get3A_272] {strides = array<i32>} : memref<5x128xf32, #tpu.memory_space<vmem>>, vector<16xf32>,
        %add3A_274 = arith.addf %mul3A_269, %get3A_273 : vector<16xf32>
        %max3A_275 = arith.constant 0.000000e+00 : f32
        %max3A_276 = vector.broadcast %max3A_275 : f32 to vector<16xf32>
        %max3A_277 = arith.maximumf %add3A_274, %max3A_276 : vector<16xf32>
        %get3A_278 = arith.constant 3 : i32
        %get3A_279 = arith.index_cast %get3A_278 : i32 to index
        %get3A_280 = arith.constant 64 : index
        %get3A_281 = tpu.vector_load %arg12[%get3A_279, %get3A_280] {strides = array<i32>} : memref<5x128xf32, #tpu.memory_space<vmem>>, vector<16xf32>,
        %mul3A_282 = arith.mulf %max3A_277, %get3A_281 : vector<16xf32>
        %add3A_283 = arith.addf %add3A_250, %mul3A_282 : vector<16xf32>
        %get3A_284 = arith.index_cast %scan3A_92 : i32 to index
        %get3A_285 = arith.constant 80 : index
        %get3A_286 = tpu.vector_load %arg16[%get3A_284, %get3A_285] {strides = array<i32>} : memref<8x128xf32, #tpu.memory_space<vmem>>, vector<16xf32>,
        %mul3A_287 = arith.mulf %gather3A, %get3A_286 : vector<16xf32>
        %add3A_288 = arith.addf %scan3A_112#5, %mul3A_287 : vector<16xf32>
        %get3A_289 = arith.constant 0 : i32
        %get3A_290 = arith.index_cast %get3A_289 : i32 to index
        %get3A_291 = arith.constant 80 : index
        %get3A_292 = tpu.vector_load %arg12[%get3A_290, %get3A_291] {strides = array<i32>} : memref<5x128xf32, #tpu.memory_space<vmem>>, vector<16xf32>,
        %add3A_293 = arith.addf %add3A_288, %get3A_292 : vector<16xf32>
        %get3A_294 = arith.index_cast %scan3A_92 : i32 to index
        %get3A_295 = arith.constant 80 : index
        %get3A_296 = tpu.vector_load %arg17[%get3A_294, %get3A_295] {strides = array<i32>} : memref<8x128xf32, #tpu.memory_space<vmem>>, vector<16xf32>,
        %mul3A_297 = arith.mulf %add3A_293, %get3A_296 : vector<16xf32>
        %get3A_298 = arith.constant 1 : i32
        %get3A_299 = arith.index_cast %get3A_298 : i32 to index
        %get3A_300 = arith.constant 80 : index
        %get3A_301 = tpu.vector_load %arg12[%get3A_299, %get3A_300] {strides = array<i32>} : memref<5x128xf32, #tpu.memory_space<vmem>>, vector<16xf32>,
        %mul3A_302 = arith.mulf %mul3A_297, %get3A_301 : vector<16xf32>
        %get3A_303 = arith.constant 2 : i32
        %get3A_304 = arith.index_cast %get3A_303 : i32 to index
        %get3A_305 = arith.constant 80 : index
        %get3A_306 = tpu.vector_load %arg12[%get3A_304, %get3A_305] {strides = array<i32>} : memref<5x128xf32, #tpu.memory_space<vmem>>, vector<16xf32>,
        %add3A_307 = arith.addf %mul3A_302, %get3A_306 : vector<16xf32>
        %max3A_308 = arith.constant 0.000000e+00 : f32
        %max3A_309 = vector.broadcast %max3A_308 : f32 to vector<16xf32>
        %max3A_310 = arith.maximumf %add3A_307, %max3A_309 : vector<16xf32>
        %get3A_311 = arith.constant 3 : i32
        %get3A_312 = arith.index_cast %get3A_311 : i32 to index
        %get3A_313 = arith.constant 80 : index
        %get3A_314 = tpu.vector_load %arg12[%get3A_312, %get3A_313] {strides = array<i32>} : memref<5x128xf32, #tpu.memory_space<vmem>>, vector<16xf32>,
        %mul3A_315 = arith.mulf %max3A_310, %get3A_314 : vector<16xf32>
        %add3A_316 = arith.addf %add3A_283, %mul3A_315 : vector<16xf32>
        %get3A_317 = arith.index_cast %scan3A_92 : i32 to index
        %get3A_318 = arith.constant 96 : index
        %get3A_319 = tpu.vector_load %arg16[%get3A_317, %get3A_318] {strides = array<i32>} : memref<8x128xf32, #tpu.memory_space<vmem>>, vector<16xf32>,
        %mul3A_320 = arith.mulf %gather3A, %get3A_319 : vector<16xf32>
        %add3A_321 = arith.addf %scan3A_112#6, %mul3A_320 : vector<16xf32>
        %get3A_322 = arith.constant 0 : i32
        %get3A_323 = arith.index_cast %get3A_322 : i32 to index
        %get3A_324 = arith.constant 96 : index
        %get3A_325 = tpu.vector_load %arg12[%get3A_323, %get3A_324] {strides = array<i32>} : memref<5x128xf32, #tpu.memory_space<vmem>>, vector<16xf32>,
        %add3A_326 = arith.addf %add3A_321, %get3A_325 : vector<16xf32>
        %get3A_327 = arith.index_cast %scan3A_92 : i32 to index
        %get3A_328 = arith.constant 96 : index
        %get3A_329 = tpu.vector_load %arg17[%get3A_327, %get3A_328] {strides = array<i32>} : memref<8x128xf32, #tpu.memory_space<vmem>>, vector<16xf32>,
        %mul3A_330 = arith.mulf %add3A_326, %get3A_329 : vector<16xf32>
        %get3A_331 = arith.constant 1 : i32
        %get3A_332 = arith.index_cast %get3A_331 : i32 to index
        %get3A_333 = arith.constant 96 : index
        %get3A_334 = tpu.vector_load %arg12[%get3A_332, %get3A_333] {strides = array<i32>} : memref<5x128xf32, #tpu.memory_space<vmem>>, vector<16xf32>,
        %mul3A_335 = arith.mulf %mul3A_330, %get3A_334 : vector<16xf32>
        %get3A_336 = arith.constant 2 : i32
        %get3A_337 = arith.index_cast %get3A_336 : i32 to index
        %get3A_338 = arith.constant 96 : index
        %get3A_339 = tpu.vector_load %arg12[%get3A_337, %get3A_338] {strides = array<i32>} : memref<5x128xf32, #tpu.memory_space<vmem>>, vector<16xf32>,
        %add3A_340 = arith.addf %mul3A_335, %get3A_339 : vector<16xf32>
        %max3A_341 = arith.constant 0.000000e+00 : f32
        %max3A_342 = vector.broadcast %max3A_341 : f32 to vector<16xf32>
        %max3A_343 = arith.maximumf %add3A_340, %max3A_342 : vector<16xf32>
        %get3A_344 = arith.constant 3 : i32
        %get3A_345 = arith.index_cast %get3A_344 : i32 to index
        %get3A_346 = arith.constant 96 : index
        %get3A_347 = tpu.vector_load %arg12[%get3A_345, %get3A_346] {strides = array<i32>} : memref<5x128xf32, #tpu.memory_space<vmem>>, vector<16xf32>,
        %mul3A_348 = arith.mulf %max3A_343, %get3A_347 : vector<16xf32>
        %add3A_349 = arith.addf %add3A_316, %mul3A_348 : vector<16xf32>
        %get3A_350 = arith.index_cast %scan3A_92 : i32 to index
        %get3A_351 = arith.constant 112 : index
        %get3A_352 = tpu.vector_load %arg16[%get3A_350, %get3A_351] {strides = array<i32>} : memref<8x128xf32, #tpu.memory_space<vmem>>, vector<16xf32>,
        %mul3A_353 = arith.mulf %gather3A, %get3A_352 : vector<16xf32>
        %add3A_354 = arith.addf %scan3A_112#7, %mul3A_353 : vector<16xf32>
        %get3A_355 = arith.constant 0 : i32
        %get3A_356 = arith.index_cast %get3A_355 : i32 to index
        %get3A_357 = arith.constant 112 : index
        %get3A_358 = tpu.vector_load %arg12[%get3A_356, %get3A_357] {strides = array<i32>} : memref<5x128xf32, #tpu.memory_space<vmem>>, vector<16xf32>,
        %add3A_359 = arith.addf %add3A_354, %get3A_358 : vector<16xf32>
        %get3A_360 = arith.index_cast %scan3A_92 : i32 to index
        %get3A_361 = arith.constant 112 : index
        %get3A_362 = tpu.vector_load %arg17[%get3A_360, %get3A_361] {strides = array<i32>} : memref<8x128xf32, #tpu.memory_space<vmem>>, vector<16xf32>,
        %mul3A_363 = arith.mulf %add3A_359, %get3A_362 : vector<16xf32>
        %get3A_364 = arith.constant 1 : i32
        %get3A_365 = arith.index_cast %get3A_364 : i32 to index
        %get3A_366 = arith.constant 112 : index
        %get3A_367 = tpu.vector_load %arg12[%get3A_365, %get3A_366] {strides = array<i32>} : memref<5x128xf32, #tpu.memory_space<vmem>>, vector<16xf32>,
        %mul3A_368 = arith.mulf %mul3A_363, %get3A_367 : vector<16xf32>
        %get3A_369 = arith.constant 2 : i32
        %get3A_370 = arith.index_cast %get3A_369 : i32 to index
        %get3A_371 = arith.constant 112 : index
        %get3A_372 = tpu.vector_load %arg12[%get3A_370, %get3A_371] {strides = array<i32>} : memref<5x128xf32, #tpu.memory_space<vmem>>, vector<16xf32>,
        %add3A_373 = arith.addf %mul3A_368, %get3A_372 : vector<16xf32>
        %max3A_374 = arith.constant 0.000000e+00 : f32
        %max3A_375 = vector.broadcast %max3A_374 : f32 to vector<16xf32>
        %max3A_376 = arith.maximumf %add3A_373, %max3A_375 : vector<16xf32>
        %get3A_377 = arith.constant 3 : i32
        %get3A_378 = arith.index_cast %get3A_377 : i32 to index
        %get3A_379 = arith.constant 112 : index
        %get3A_380 = tpu.vector_load %arg12[%get3A_378, %get3A_379] {strides = array<i32>} : memref<5x128xf32, #tpu.memory_space<vmem>>, vector<16xf32>,
        %mul3A_381 = arith.mulf %max3A_376, %get3A_380 : vector<16xf32>
        %add3A_382 = arith.addf %add3A_349, %mul3A_381 : vector<16xf32>
        %reduce_sum3A = arith.constant true
        %reduce_sum3A_383 = vector.broadcast %reduce_sum3A : i1 to vector<16xi1>
        %reduce_sum3A_384 = tpu.scan <sum>, %add3A_382 masked %reduce_sum3A_383 : vector<16xf32>, vector<16xi1> -> vector<16xf32>
        %reduce_sum3A_385 = vector.extract %reduce_sum3A_384[15] : f32 from vector<16xf32>
        %broadcast_in_dim3A_386 = arith.constant 0 : i32
        %broadcast_in_dim3A_387 = vector.broadcast %broadcast_in_dim3A_386 : i32 to vector<16xi32>
        %add3A_388 = vector.broadcast %scan3A_92 : i32 to vector<16xi32>
        %add3A_389 = arith.addi %broadcast_in_dim3A_387, %add3A_388 : vector<16xi32>
        %broadcast_in_dim3A_390 = arith.constant 0.000000e+00 : f32
        %broadcast_in_dim3A_391 = vector.broadcast %broadcast_in_dim3A_390 : f32 to vector<16xf32>
        %add3A_392 = vector.broadcast %reduce_sum3A_385 : f32 to vector<16xf32>
        %add3A_393 = arith.addf %broadcast_in_dim3A_391, %add3A_392 : vector<16xf32>
        tpu.vector_store_idx %arg20[%add3A_389], %add3A_393 masked %eq3A_37 : memref<16xf32, #tpu.memory_space<vmem>>[vector<16xi32>], vector<16xf32>, vector<16xi1>
      }
      %scan3A_81 = arith.constant 8 : i32
      %get3A_82 = arith.constant 0 : index
      %get3A_83 = tpu.vector_load %arg20[%get3A_82] {strides = array<i32>} : memref<16xf32, #tpu.memory_space<vmem>>, vector<16xf32>,
      %get3A_84 = arith.constant 4 : i32
      %get3A_85 = arith.index_cast %get3A_84 : i32 to index
      %get3A_86 = arith.constant 0 : index
      %get3A_87 = tpu.vector_load %arg12[%get3A_85, %get3A_86] {strides = array<i32>} : memref<5x128xf32, #tpu.memory_space<vmem>>, vector<16xf32>,
      %add3A_88 = arith.addf %get3A_83, %get3A_87 : vector<16xf32>
      %swap3A_89 = arith.constant 0 : index
      %swap3A_90 = tpu.vector_load %arg20[%swap3A_89] {strides = array<i32>} : memref<16xf32, #tpu.memory_space<vmem>>, vector<16xf32>,
      tpu.vector_store %arg20[%swap3A_89], %add3A_88 {strides = array<i32>} : memref<16xf32, #tpu.memory_space<vmem>>, vector<16xf32>,
      %add3A_91 = arith.addi %mul3A_32, %mul3A_44 : i32
      "tpu.region"() ({
        %run_scoped3A = tpu.sem_alloc : memref<!tpu.dma_semaphore, #tpu.memory_space<semaphore_mem>>
        %dma_start3A_92 = arith.constant 0 : i32
        %dma_start3A_93 = tpu.memref_slice %arg20[%dma_start3A_92] : memref<16xf32, #tpu.memory_space<vmem>> -> memref<8xf32, #tpu.memory_space<vmem>>
        %dma_start3A_94 = tpu.memref_slice %arg8[%select_n3A, %add3A_91] : memref<2x10240xf32, #tpu.memory_space<hbm>> -> memref<1x8xf32, #tpu.memory_space<hbm>>
        %dma_start3A_95 = tpu.memref_squeeze %dma_start3A_94 : memref<1x8xf32, #tpu.memory_space<hbm>> -> memref<8xf32, #tpu.memory_space<hbm>>
        %dma_start3A_96 = tpu.memref_slice %arg8[%select_n3A, %add3A_91] : memref<2x10240xf32, #tpu.memory_space<hbm>> -> memref<1x8xf32, #tpu.memory_space<hbm>>
        %dma_start3A_97 = tpu.memref_squeeze %dma_start3A_96 : memref<1x8xf32, #tpu.memory_space<hbm>> -> memref<8xf32, #tpu.memory_space<hbm>>
        %dma_start3A_98 = arith.constant 0 : i32
        %dma_start3A_99 = tpu.memref_slice %arg20[%dma_start3A_98] : memref<16xf32, #tpu.memory_space<vmem>> -> memref<8xf32, #tpu.memory_space<vmem>>
        tpu.enqueue_dma source(%dma_start3A_99 : memref<8xf32, #tpu.memory_space<vmem>>) target(%dma_start3A_97 : memref<8xf32, #tpu.memory_space<hbm>>) target_semaphore(%run_scoped3A : memref<!tpu.dma_semaphore, #tpu.memory_space<semaphore_mem>>)
        %dma_wait3A_100 = arith.constant 0 : i32
        %dma_wait3A_101 = tpu.memref_slice %arg20[%dma_wait3A_100] : memref<16xf32, #tpu.memory_space<vmem>> -> memref<8xf32, #tpu.memory_space<vmem>>
        %dma_wait3A_102 = tpu.memref_slice %arg8[%select_n3A, %add3A_91] : memref<2x10240xf32, #tpu.memory_space<hbm>> -> memref<1x8xf32, #tpu.memory_space<hbm>>
        %dma_wait3A_103 = tpu.memref_squeeze %dma_wait3A_102 : memref<1x8xf32, #tpu.memory_space<hbm>> -> memref<8xf32, #tpu.memory_space<hbm>>
        %dma_wait3A_104 = tpu.memref_slice %arg8[%select_n3A, %add3A_91] : memref<2x10240xf32, #tpu.memory_space<hbm>> -> memref<1x8xf32, #tpu.memory_space<hbm>>
        %dma_wait3A_105 = tpu.memref_squeeze %dma_wait3A_104 : memref<1x8xf32, #tpu.memory_space<hbm>> -> memref<8xf32, #tpu.memory_space<hbm>>
        %dma_wait3A_106 = arith.constant 0 : i32
        %dma_wait3A_107 = tpu.memref_slice %arg20[%dma_wait3A_106] : memref<16xf32, #tpu.memory_space<vmem>> -> memref<8xf32, #tpu.memory_space<vmem>>
        tpu.wait_dma2 semaphore(%run_scoped3A : memref<!tpu.dma_semaphore, #tpu.memory_space<semaphore_mem>>) src(%dma_wait3A_107 : memref<8xf32, #tpu.memory_space<vmem>>) dst(%dma_wait3A_105 : memref<8xf32, #tpu.memory_space<hbm>>)
        tpu.yield
      }) : () -> ()
    }
    %scan3A_41 = arith.constant 80 : i32
    return
  }
}

module attributes {stable_mosaic.version = 14 : i64} {
  func.func @_xl_body(%arg0: i32, %arg1: memref<400x128xf32, #tpu.memory_space<vmem>>, %arg2: memref<400x128xf32, #tpu.memory_space<vmem>>, %arg3: memref<128x128xf32, #tpu.memory_space<vmem>>, %arg4: memref<128x2xf32, #tpu.memory_space<vmem>>, %arg5: memref<128x2xf32, #tpu.memory_space<vmem>>, %arg6: memref<400x128xf32, #tpu.memory_space<vmem>>, %arg7: memref<400x2xf32, #tpu.memory_space<vmem>>) attributes {dimension_semantics = [#tpu.dimension_semantics<arbitrary>], iteration_bounds = array<i64: 50>, scalar_prefetch = 0 : i64, scratch_operands = 0 : i64, tpu.core_type = #tpu.core_type<tc>, window_params = [{transform_indices = @transform_0, window_bounds = array<i64: 400, 128>}, {transform_indices = @transform_1, window_bounds = array<i64: 400, 128>}, {pipeline_mode = #tpu.pipeline_mode<synchronous>, transform_indices = @transform_2, window_bounds = array<i64: 128, 128>}, {pipeline_mode = #tpu.pipeline_mode<synchronous>, transform_indices = @transform_3, window_bounds = array<i64: 128, 2>}, {pipeline_mode = #tpu.pipeline_mode<synchronous>, transform_indices = @transform_4, window_bounds = array<i64: 128, 2>}, {transform_indices = @transform_5, window_bounds = array<i64: 400, 128>}, {transform_indices = @transform_6, window_bounds = array<i64: 400, 2>}]} {
    %get3A = arith.constant 0 : index
    %get3A_0 = arith.constant 0 : index
    %get3A_1 = vector.load %arg1[%get3A, %get3A_0] : memref<400x128xf32, #tpu.memory_space<vmem>>, vector<400x128xf32>
    %get3A_2 = arith.constant 0 : index
    %get3A_3 = arith.constant 0 : index
    %get3A_4 = vector.load %arg3[%get3A_2, %get3A_3] : memref<128x128xf32, #tpu.memory_space<vmem>>, vector<128x128xf32>
    %dot_general3A = arith.constant dense<0.000000e+00> : vector<400x128xf32>
    %dot_general3A_5 = tpu.matmul %get3A_1, %get3A_4, %dot_general3A {dimension_numbers = #tpu.dot_dimension_numbers<[1], [0], [0], [1], [0, 0, 1, 1], [], []>, transpose_lhs_hint = false} : vector<400x128xf32>, vector<128x128xf32>, vector<400x128xf32> -> vector<400x128xf32>
    %swap3A = arith.constant 0 : index
    %swap3A_6 = arith.constant 0 : index
    %swap3A_7 = vector.load %arg6[%swap3A, %swap3A_6] : memref<400x128xf32, #tpu.memory_space<vmem>>, vector<400x128xf32>
    tpu.vector_store %arg6[%swap3A, %swap3A_6], %dot_general3A_5 {strides = array<i32>} : memref<400x128xf32, #tpu.memory_space<vmem>>, vector<400x128xf32>,
    %get3A_8 = arith.constant 0 : index
    %get3A_9 = arith.constant 0 : index
    %get3A_10 = vector.load %arg4[%get3A_8, %get3A_9] : memref<128x2xf32, #tpu.memory_space<vmem>>, vector<128x2xf32>
    %dot_general3A_11 = arith.constant dense<0.000000e+00> : vector<400x2xf32>
    %dot_general3A_12 = tpu.matmul %dot_general3A_5, %get3A_10, %dot_general3A_11 {dimension_numbers = #tpu.dot_dimension_numbers<[1], [0], [0], [1], [0, 0, 1, 1], [], []>, transpose_lhs_hint = false} : vector<400x128xf32>, vector<128x2xf32>, vector<400x2xf32> -> vector<400x2xf32>
    %get3A_13 = arith.constant 0 : index
    %get3A_14 = arith.constant 0 : index
    %get3A_15 = vector.load %arg2[%get3A_13, %get3A_14] : memref<400x128xf32, #tpu.memory_space<vmem>>, vector<400x128xf32>
    %get3A_16 = arith.constant 0 : index
    %get3A_17 = arith.constant 0 : index
    %get3A_18 = vector.load %arg5[%get3A_16, %get3A_17] : memref<128x2xf32, #tpu.memory_space<vmem>>, vector<128x2xf32>
    %dot_general3A_19 = arith.constant dense<0.000000e+00> : vector<400x2xf32>
    %dot_general3A_20 = tpu.matmul %get3A_15, %get3A_18, %dot_general3A_19 {dimension_numbers = #tpu.dot_dimension_numbers<[1], [0], [0], [1], [0, 0, 1, 1], [], []>, transpose_lhs_hint = false} : vector<400x128xf32>, vector<128x2xf32>, vector<400x2xf32> -> vector<400x2xf32>
    %add3A = arith.addf %dot_general3A_12, %dot_general3A_20 : vector<400x2xf32>
    %swap3A_21 = arith.constant 0 : index
    %swap3A_22 = arith.constant 0 : index
    %swap3A_23 = vector.load %arg7[%swap3A_21, %swap3A_22] : memref<400x2xf32, #tpu.memory_space<vmem>>, vector<400x2xf32>
    tpu.vector_store %arg7[%swap3A_21, %swap3A_22], %add3A {strides = array<i32>} : memref<400x2xf32, #tpu.memory_space<vmem>>, vector<400x2xf32>,
    return
  }
  func.func @transform_0(%arg0: i32) -> (i32, i32) {
    %c0_i32 = arith.constant 0 : i32
    %c0_i32_0 = arith.constant 0 : i32
    return %arg0, %c0_i32 : i32, i32
  }
  func.func @transform_1(%arg0: i32) -> (i32, i32) {
    %jit3A = arith.constant 25 : i32
    %eq3A = arith.constant 0 : i32
    %eq3A_0 = arith.cmpi eq, %jit3A, %eq3A : i32
    %jit3A_1 = arith.constant 1 : i32
    %select_n3A = arith.select %eq3A_0, %jit3A_1, %jit3A : i32
    %rem3A = arith.remsi %arg0, %select_n3A : i32
    %ne3A = arith.constant 0 : i32
    %ne3A_2 = arith.cmpi ne, %rem3A, %ne3A : i32
    %lt3A = arith.constant 0 : i32
    %lt3A_3 = arith.cmpi slt, %rem3A, %lt3A : i32
    %lt3A_4 = arith.constant 0 : i32
    %lt3A_5 = arith.cmpi slt, %select_n3A, %lt3A_4 : i32
    %ne3A_6 = arith.xori %lt3A_3, %lt3A_5 : i1
    %and3A = arith.andi %ne3A_6, %ne3A_2 : i1
    %add3A = arith.addi %rem3A, %select_n3A : i32
    %select_n3A_7 = arith.select %and3A, %add3A, %rem3A : i32
    %c0_i32 = arith.constant 0 : i32
    %c0_i32_8 = arith.constant 0 : i32
    return %select_n3A_7, %c0_i32 : i32, i32
  }
  func.func @transform_2(%arg0: i32) -> (i32, i32) {
    %c0_i32 = arith.constant 0 : i32
    %c0_i32_0 = arith.constant 0 : i32
    %c0_i32_1 = arith.constant 0 : i32
    return %c0_i32, %c0_i32_0 : i32, i32
  }
  func.func @transform_3(%arg0: i32) -> (i32, i32) {
    %c0_i32 = arith.constant 0 : i32
    %c0_i32_0 = arith.constant 0 : i32
    %c0_i32_1 = arith.constant 0 : i32
    return %c0_i32, %c0_i32_0 : i32, i32
  }
  func.func @transform_4(%arg0: i32) -> (i32, i32) {
    %c0_i32 = arith.constant 0 : i32
    %c0_i32_0 = arith.constant 0 : i32
    %c0_i32_1 = arith.constant 0 : i32
    return %c0_i32, %c0_i32_0 : i32, i32
  }
  func.func @transform_5(%arg0: i32) -> (i32, i32) {
    %c0_i32 = arith.constant 0 : i32
    %c0_i32_0 = arith.constant 0 : i32
    return %arg0, %c0_i32 : i32, i32
  }
  func.func @transform_6(%arg0: i32) -> (i32, i32) {
    %c0_i32 = arith.constant 0 : i32
    %c0_i32_0 = arith.constant 0 : i32
    return %arg0, %c0_i32 : i32, i32
  }
}

module attributes {stable_mosaic.version = 14 : i64} {
  func.func @_topk_body(%arg0: i32, %arg1: memref<256x128xf32, #tpu.memory_space<vmem>>, %arg2: memref<128x10240xf32, #tpu.memory_space<vmem>>, %arg3: memref<256x16xi32, #tpu.memory_space<vmem>>) attributes {dimension_semantics = [#tpu.dimension_semantics<arbitrary>], iteration_bounds = array<i64: 40>, scalar_prefetch = 0 : i64, scratch_operands = 0 : i64, tpu.core_type = #tpu.core_type<tc>, window_params = [{transform_indices = @transform_0, window_bounds = array<i64: 256, 128>}, {pipeline_mode = #tpu.pipeline_mode<synchronous>, transform_indices = @transform_1, window_bounds = array<i64: 128, 10240>}, {transform_indices = @transform_2, window_bounds = array<i64: 256, 16>}]} {
    %get3A = arith.constant 0 : index
    %get3A_0 = arith.constant 0 : index
    %get3A_1 = vector.load %arg2[%get3A, %get3A_0] : memref<128x10240xf32, #tpu.memory_space<vmem>>, vector<128x10240xf32>
    %mul3A = arith.mulf %get3A_1, %get3A_1 : vector<128x10240xf32>
    %reduce_sum3A = arith.constant dense<0.000000e+00> : vector<10240xf32>
    %reduce_sum3A_2 = vector.multi_reduction <add>, %mul3A, %reduce_sum3A [0] : vector<128x10240xf32> to vector<10240xf32>
    %broadcast_in_dim3A = vector.shape_cast %reduce_sum3A_2 : vector<10240xf32> to vector<1x10240xf32>
    %rsqrt3A = math.rsqrt %broadcast_in_dim3A : vector<1x10240xf32>
    %get3A_3 = arith.constant 0 : index
    %get3A_4 = arith.constant 0 : index
    %get3A_5 = vector.load %arg1[%get3A_3, %get3A_4] : memref<256x128xf32, #tpu.memory_space<vmem>>, vector<256x128xf32>
    %dot_general3A = arith.constant dense<0.000000e+00> : vector<256x10240xf32>
    %dot_general3A_6 = tpu.matmul %get3A_5, %get3A_1, %dot_general3A {dimension_numbers = #tpu.dot_dimension_numbers<[1], [0], [0], [1], [0, 0, 1, 1], [], []>, precision = #tpu.contract_precision<fp32>, transpose_lhs_hint = false} : vector<256x128xf32>, vector<128x10240xf32>, vector<256x10240xf32> -> vector<256x10240xf32>
    %mul3A_7 = vector.broadcast %rsqrt3A : vector<1x10240xf32> to vector<256x10240xf32>
    %mul3A_8 = arith.mulf %dot_general3A_6, %mul3A_7 : vector<256x10240xf32>
    %iota3A = tpu.iota {dimensions = array<i32: 1>} : vector<256x10240xi32>
    %lt3A = arith.constant 10000 : i32
    %lt3A_9 = vector.broadcast %lt3A : i32 to vector<256x10240xi32>
    %lt3A_10 = arith.cmpi slt, %iota3A, %lt3A_9 : vector<256x10240xi32>
    %jit3A = arith.constant -3.000000e+38 : f32
    %broadcast_in_dim3A_11 = vector.broadcast %jit3A : f32 to vector<256x10240xf32>
    %select_n3A = arith.select %lt3A_10, %mul3A_8, %broadcast_in_dim3A_11 : vector<256x10240xi1>, vector<256x10240xf32>
    %reshape3A = vector.shape_cast %select_n3A : vector<256x10240xf32> to vector<256x80x128xf32>
    %reduce_max3A = arith.constant dense<0xFF800000> : vector<256x80xf32>
    %reduce_max3A_12 = vector.multi_reduction <maximumf>, %reshape3A, %reduce_max3A [2] : vector<256x80x128xf32> to vector<256x80xf32>
    %iota3A_13 = tpu.iota {dimensions = array<i32: 1>} : vector<256x80xi32>
    %iota3A_14 = tpu.iota {dimensions = array<i32: 1>} : vector<256x128xi32>
    %reduce_max3A_15 = arith.constant dense<0xFF800000> : vector<256xf32>
    %reduce_max3A_16 = vector.multi_reduction <maximumf>, %reduce_max3A_12, %reduce_max3A_15 [1] : vector<256x80xf32> to vector<256xf32>
    %broadcast_in_dim3A_17 = vector.shape_cast %reduce_max3A_16 : vector<256xf32> to vector<256x1xf32>
    %eq3A = vector.broadcast %broadcast_in_dim3A_17 : vector<256x1xf32> to vector<256x80xf32>
    %eq3A_18 = arith.cmpf oeq, %reduce_max3A_12, %eq3A : vector<256x80xf32>
    %jit3A_19 = arith.constant 80 : i32
    %broadcast_in_dim3A_20 = vector.broadcast %jit3A_19 : i32 to vector<256x80xi32>
    %select_n3A_21 = arith.select %eq3A_18, %iota3A_13, %broadcast_in_dim3A_20 : vector<256x80xi1>, vector<256x80xi32>
    %reduce_min3A = arith.constant dense<2147483647> : vector<256xi32>
    %reduce_min3A_22 = vector.multi_reduction <minsi>, %select_n3A_21, %reduce_min3A [1] : vector<256x80xi32> to vector<256xi32>
    %broadcast_in_dim3A_23 = vector.shape_cast %reduce_min3A_22 : vector<256xi32> to vector<256x1xi32>
    %eq3A_24 = vector.broadcast %broadcast_in_dim3A_23 : vector<256x1xi32> to vector<256x80xi32>
    %eq3A_25 = arith.cmpi eq, %iota3A_13, %eq3A_24 : vector<256x80xi32>
    %jit3A_26 = arith.constant 1.000000e+00 : f32
    %jit3A_27 = arith.constant 0.000000e+00 : f32
    %broadcast_in_dim3A_28 = vector.broadcast %jit3A_26 : f32 to vector<256x80xf32>
    %broadcast_in_dim3A_29 = vector.broadcast %jit3A_27 : f32 to vector<256x80xf32>
    %select_n3A_30 = arith.select %eq3A_25, %broadcast_in_dim3A_28, %broadcast_in_dim3A_29 : vector<256x80xi1>, vector<256x80xf32>
    %broadcast_in_dim3A_31 = vector.shape_cast %reduce_min3A_22 : vector<256xi32> to vector<256x1xi32>
    %mul3A_32 = arith.constant 128 : i32
    %mul3A_33 = vector.broadcast %mul3A_32 : i32 to vector<256x1xi32>
    %mul3A_34 = arith.muli %broadcast_in_dim3A_31, %mul3A_33 : vector<256x1xi32>
    %add3A = vector.broadcast %mul3A_34 : vector<256x1xi32> to vector<256x128xi32>
    %add3A_35 = arith.addi %add3A, %iota3A_14 : vector<256x128xi32>
    %jit3A_36 = arith.constant -3.000000e+38 : f32
    %broadcast_in_dim3A_37 = vector.broadcast %jit3A_36 : f32 to vector<256x80xf32>
    %select_n3A_38 = arith.select %eq3A_25, %broadcast_in_dim3A_37, %reduce_max3A_12 : vector<256x80xi1>, vector<256x80xf32>
    %reduce_max3A_39 = arith.constant dense<0xFF800000> : vector<256xf32>
    %reduce_max3A_40 = vector.multi_reduction <maximumf>, %select_n3A_38, %reduce_max3A_39 [1] : vector<256x80xf32> to vector<256xf32>
    %broadcast_in_dim3A_41 = vector.shape_cast %reduce_max3A_40 : vector<256xf32> to vector<256x1xf32>
    %eq3A_42 = vector.broadcast %broadcast_in_dim3A_41 : vector<256x1xf32> to vector<256x80xf32>
    %eq3A_43 = arith.cmpf oeq, %select_n3A_38, %eq3A_42 : vector<256x80xf32>
    %jit3A_44 = arith.constant 80 : i32
    %broadcast_in_dim3A_45 = vector.broadcast %jit3A_44 : i32 to vector<256x80xi32>
    %select_n3A_46 = arith.select %eq3A_43, %iota3A_13, %broadcast_in_dim3A_45 : vector<256x80xi1>, vector<256x80xi32>
    %reduce_min3A_47 = arith.constant dense<2147483647> : vector<256xi32>
    %reduce_min3A_48 = vector.multi_reduction <minsi>, %select_n3A_46, %reduce_min3A_47 [1] : vector<256x80xi32> to vector<256xi32>
    %broadcast_in_dim3A_49 = vector.shape_cast %reduce_min3A_48 : vector<256xi32> to vector<256x1xi32>
    %eq3A_50 = vector.broadcast %broadcast_in_dim3A_49 : vector<256x1xi32> to vector<256x80xi32>
    %eq3A_51 = arith.cmpi eq, %iota3A_13, %eq3A_50 : vector<256x80xi32>
    %jit3A_52 = arith.constant 1.000000e+00 : f32
    %jit3A_53 = arith.constant 0.000000e+00 : f32
    %broadcast_in_dim3A_54 = vector.broadcast %jit3A_52 : f32 to vector<256x80xf32>
    %broadcast_in_dim3A_55 = vector.broadcast %jit3A_53 : f32 to vector<256x80xf32>
    %select_n3A_56 = arith.select %eq3A_51, %broadcast_in_dim3A_54, %broadcast_in_dim3A_55 : vector<256x80xi1>, vector<256x80xf32>
    %broadcast_in_dim3A_57 = vector.shape_cast %reduce_min3A_48 : vector<256xi32> to vector<256x1xi32>
    %mul3A_58 = arith.constant 128 : i32
    %mul3A_59 = vector.broadcast %mul3A_58 : i32 to vector<256x1xi32>
    %mul3A_60 = arith.muli %broadcast_in_dim3A_57, %mul3A_59 : vector<256x1xi32>
    %add3A_61 = vector.broadcast %mul3A_60 : vector<256x1xi32> to vector<256x128xi32>
    %add3A_62 = arith.addi %add3A_61, %iota3A_14 : vector<256x128xi32>
    %jit3A_63 = arith.constant -3.000000e+38 : f32
    %broadcast_in_dim3A_64 = vector.broadcast %jit3A_63 : f32 to vector<256x80xf32>
    %select_n3A_65 = arith.select %eq3A_51, %broadcast_in_dim3A_64, %select_n3A_38 : vector<256x80xi1>, vector<256x80xf32>
    %reduce_max3A_66 = arith.constant dense<0xFF800000> : vector<256xf32>
    %reduce_max3A_67 = vector.multi_reduction <maximumf>, %select_n3A_65, %reduce_max3A_66 [1] : vector<256x80xf32> to vector<256xf32>
    %broadcast_in_dim3A_68 = vector.shape_cast %reduce_max3A_67 : vector<256xf32> to vector<256x1xf32>
    %eq3A_69 = vector.broadcast %broadcast_in_dim3A_68 : vector<256x1xf32> to vector<256x80xf32>
    %eq3A_70 = arith.cmpf oeq, %select_n3A_65, %eq3A_69 : vector<256x80xf32>
    %jit3A_71 = arith.constant 80 : i32
    %broadcast_in_dim3A_72 = vector.broadcast %jit3A_71 : i32 to vector<256x80xi32>
    %select_n3A_73 = arith.select %eq3A_70, %iota3A_13, %broadcast_in_dim3A_72 : vector<256x80xi1>, vector<256x80xi32>
    %reduce_min3A_74 = arith.constant dense<2147483647> : vector<256xi32>
    %reduce_min3A_75 = vector.multi_reduction <minsi>, %select_n3A_73, %reduce_min3A_74 [1] : vector<256x80xi32> to vector<256xi32>
    %broadcast_in_dim3A_76 = vector.shape_cast %reduce_min3A_75 : vector<256xi32> to vector<256x1xi32>
    %eq3A_77 = vector.broadcast %broadcast_in_dim3A_76 : vector<256x1xi32> to vector<256x80xi32>
    %eq3A_78 = arith.cmpi eq, %iota3A_13, %eq3A_77 : vector<256x80xi32>
    %jit3A_79 = arith.constant 1.000000e+00 : f32
    %jit3A_80 = arith.constant 0.000000e+00 : f32
    %broadcast_in_dim3A_81 = vector.broadcast %jit3A_79 : f32 to vector<256x80xf32>
    %broadcast_in_dim3A_82 = vector.broadcast %jit3A_80 : f32 to vector<256x80xf32>
    %select_n3A_83 = arith.select %eq3A_78, %broadcast_in_dim3A_81, %broadcast_in_dim3A_82 : vector<256x80xi1>, vector<256x80xf32>
    %broadcast_in_dim3A_84 = vector.shape_cast %reduce_min3A_75 : vector<256xi32> to vector<256x1xi32>
    %mul3A_85 = arith.constant 128 : i32
    %mul3A_86 = vector.broadcast %mul3A_85 : i32 to vector<256x1xi32>
    %mul3A_87 = arith.muli %broadcast_in_dim3A_84, %mul3A_86 : vector<256x1xi32>
    %add3A_88 = vector.broadcast %mul3A_87 : vector<256x1xi32> to vector<256x128xi32>
    %add3A_89 = arith.addi %add3A_88, %iota3A_14 : vector<256x128xi32>
    %jit3A_90 = arith.constant -3.000000e+38 : f32
    %broadcast_in_dim3A_91 = vector.broadcast %jit3A_90 : f32 to vector<256x80xf32>
    %select_n3A_92 = arith.select %eq3A_78, %broadcast_in_dim3A_91, %select_n3A_65 : vector<256x80xi1>, vector<256x80xf32>
    %reduce_max3A_93 = arith.constant dense<0xFF800000> : vector<256xf32>
    %reduce_max3A_94 = vector.multi_reduction <maximumf>, %select_n3A_92, %reduce_max3A_93 [1] : vector<256x80xf32> to vector<256xf32>
    %broadcast_in_dim3A_95 = vector.shape_cast %reduce_max3A_94 : vector<256xf32> to vector<256x1xf32>
    %eq3A_96 = vector.broadcast %broadcast_in_dim3A_95 : vector<256x1xf32> to vector<256x80xf32>
    %eq3A_97 = arith.cmpf oeq, %select_n3A_92, %eq3A_96 : vector<256x80xf32>
    %jit3A_98 = arith.constant 80 : i32
    %broadcast_in_dim3A_99 = vector.broadcast %jit3A_98 : i32 to vector<256x80xi32>
    %select_n3A_100 = arith.select %eq3A_97, %iota3A_13, %broadcast_in_dim3A_99 : vector<256x80xi1>, vector<256x80xi32>
    %reduce_min3A_101 = arith.constant dense<2147483647> : vector<256xi32>
    %reduce_min3A_102 = vector.multi_reduction <minsi>, %select_n3A_100, %reduce_min3A_101 [1] : vector<256x80xi32> to vector<256xi32>
    %broadcast_in_dim3A_103 = vector.shape_cast %reduce_min3A_102 : vector<256xi32> to vector<256x1xi32>
    %eq3A_104 = vector.broadcast %broadcast_in_dim3A_103 : vector<256x1xi32> to vector<256x80xi32>
    %eq3A_105 = arith.cmpi eq, %iota3A_13, %eq3A_104 : vector<256x80xi32>
    %jit3A_106 = arith.constant 1.000000e+00 : f32
    %jit3A_107 = arith.constant 0.000000e+00 : f32
    %broadcast_in_dim3A_108 = vector.broadcast %jit3A_106 : f32 to vector<256x80xf32>
    %broadcast_in_dim3A_109 = vector.broadcast %jit3A_107 : f32 to vector<256x80xf32>
    %select_n3A_110 = arith.select %eq3A_105, %broadcast_in_dim3A_108, %broadcast_in_dim3A_109 : vector<256x80xi1>, vector<256x80xf32>
    %broadcast_in_dim3A_111 = vector.shape_cast %reduce_min3A_102 : vector<256xi32> to vector<256x1xi32>
    %mul3A_112 = arith.constant 128 : i32
    %mul3A_113 = vector.broadcast %mul3A_112 : i32 to vector<256x1xi32>
    %mul3A_114 = arith.muli %broadcast_in_dim3A_111, %mul3A_113 : vector<256x1xi32>
    %add3A_115 = vector.broadcast %mul3A_114 : vector<256x1xi32> to vector<256x128xi32>
    %add3A_116 = arith.addi %add3A_115, %iota3A_14 : vector<256x128xi32>
    %jit3A_117 = arith.constant -3.000000e+38 : f32
    %broadcast_in_dim3A_118 = vector.broadcast %jit3A_117 : f32 to vector<256x80xf32>
    %select_n3A_119 = arith.select %eq3A_105, %broadcast_in_dim3A_118, %select_n3A_92 : vector<256x80xi1>, vector<256x80xf32>
    %reduce_max3A_120 = arith.constant dense<0xFF800000> : vector<256xf32>
    %reduce_max3A_121 = vector.multi_reduction <maximumf>, %select_n3A_119, %reduce_max3A_120 [1] : vector<256x80xf32> to vector<256xf32>
    %broadcast_in_dim3A_122 = vector.shape_cast %reduce_max3A_121 : vector<256xf32> to vector<256x1xf32>
    %eq3A_123 = vector.broadcast %broadcast_in_dim3A_122 : vector<256x1xf32> to vector<256x80xf32>
    %eq3A_124 = arith.cmpf oeq, %select_n3A_119, %eq3A_123 : vector<256x80xf32>
    %jit3A_125 = arith.constant 80 : i32
    %broadcast_in_dim3A_126 = vector.broadcast %jit3A_125 : i32 to vector<256x80xi32>
    %select_n3A_127 = arith.select %eq3A_124, %iota3A_13, %broadcast_in_dim3A_126 : vector<256x80xi1>, vector<256x80xi32>
    %reduce_min3A_128 = arith.constant dense<2147483647> : vector<256xi32>
    %reduce_min3A_129 = vector.multi_reduction <minsi>, %select_n3A_127, %reduce_min3A_128 [1] : vector<256x80xi32> to vector<256xi32>
    %broadcast_in_dim3A_130 = vector.shape_cast %reduce_min3A_129 : vector<256xi32> to vector<256x1xi32>
    %eq3A_131 = vector.broadcast %broadcast_in_dim3A_130 : vector<256x1xi32> to vector<256x80xi32>
    %eq3A_132 = arith.cmpi eq, %iota3A_13, %eq3A_131 : vector<256x80xi32>
    %jit3A_133 = arith.constant 1.000000e+00 : f32
    %jit3A_134 = arith.constant 0.000000e+00 : f32
    %broadcast_in_dim3A_135 = vector.broadcast %jit3A_133 : f32 to vector<256x80xf32>
    %broadcast_in_dim3A_136 = vector.broadcast %jit3A_134 : f32 to vector<256x80xf32>
    %select_n3A_137 = arith.select %eq3A_132, %broadcast_in_dim3A_135, %broadcast_in_dim3A_136 : vector<256x80xi1>, vector<256x80xf32>
    %broadcast_in_dim3A_138 = vector.shape_cast %reduce_min3A_129 : vector<256xi32> to vector<256x1xi32>
    %mul3A_139 = arith.constant 128 : i32
    %mul3A_140 = vector.broadcast %mul3A_139 : i32 to vector<256x1xi32>
    %mul3A_141 = arith.muli %broadcast_in_dim3A_138, %mul3A_140 : vector<256x1xi32>
    %add3A_142 = vector.broadcast %mul3A_141 : vector<256x1xi32> to vector<256x128xi32>
    %add3A_143 = arith.addi %add3A_142, %iota3A_14 : vector<256x128xi32>
    %jit3A_144 = arith.constant -3.000000e+38 : f32
    %broadcast_in_dim3A_145 = vector.broadcast %jit3A_144 : f32 to vector<256x80xf32>
    %select_n3A_146 = arith.select %eq3A_132, %broadcast_in_dim3A_145, %select_n3A_119 : vector<256x80xi1>, vector<256x80xf32>
    %reduce_max3A_147 = arith.constant dense<0xFF800000> : vector<256xf32>
    %reduce_max3A_148 = vector.multi_reduction <maximumf>, %select_n3A_146, %reduce_max3A_147 [1] : vector<256x80xf32> to vector<256xf32>
    %broadcast_in_dim3A_149 = vector.shape_cast %reduce_max3A_148 : vector<256xf32> to vector<256x1xf32>
    %eq3A_150 = vector.broadcast %broadcast_in_dim3A_149 : vector<256x1xf32> to vector<256x80xf32>
    %eq3A_151 = arith.cmpf oeq, %select_n3A_146, %eq3A_150 : vector<256x80xf32>
    %jit3A_152 = arith.constant 80 : i32
    %broadcast_in_dim3A_153 = vector.broadcast %jit3A_152 : i32 to vector<256x80xi32>
    %select_n3A_154 = arith.select %eq3A_151, %iota3A_13, %broadcast_in_dim3A_153 : vector<256x80xi1>, vector<256x80xi32>
    %reduce_min3A_155 = arith.constant dense<2147483647> : vector<256xi32>
    %reduce_min3A_156 = vector.multi_reduction <minsi>, %select_n3A_154, %reduce_min3A_155 [1] : vector<256x80xi32> to vector<256xi32>
    %broadcast_in_dim3A_157 = vector.shape_cast %reduce_min3A_156 : vector<256xi32> to vector<256x1xi32>
    %eq3A_158 = vector.broadcast %broadcast_in_dim3A_157 : vector<256x1xi32> to vector<256x80xi32>
    %eq3A_159 = arith.cmpi eq, %iota3A_13, %eq3A_158 : vector<256x80xi32>
    %jit3A_160 = arith.constant 1.000000e+00 : f32
    %jit3A_161 = arith.constant 0.000000e+00 : f32
    %broadcast_in_dim3A_162 = vector.broadcast %jit3A_160 : f32 to vector<256x80xf32>
    %broadcast_in_dim3A_163 = vector.broadcast %jit3A_161 : f32 to vector<256x80xf32>
    %select_n3A_164 = arith.select %eq3A_159, %broadcast_in_dim3A_162, %broadcast_in_dim3A_163 : vector<256x80xi1>, vector<256x80xf32>
    %broadcast_in_dim3A_165 = vector.shape_cast %reduce_min3A_156 : vector<256xi32> to vector<256x1xi32>
    %mul3A_166 = arith.constant 128 : i32
    %mul3A_167 = vector.broadcast %mul3A_166 : i32 to vector<256x1xi32>
    %mul3A_168 = arith.muli %broadcast_in_dim3A_165, %mul3A_167 : vector<256x1xi32>
    %add3A_169 = vector.broadcast %mul3A_168 : vector<256x1xi32> to vector<256x128xi32>
    %add3A_170 = arith.addi %add3A_169, %iota3A_14 : vector<256x128xi32>
    %jit3A_171 = arith.constant -3.000000e+38 : f32
    %broadcast_in_dim3A_172 = vector.broadcast %jit3A_171 : f32 to vector<256x80xf32>
    %select_n3A_173 = arith.select %eq3A_159, %broadcast_in_dim3A_172, %select_n3A_146 : vector<256x80xi1>, vector<256x80xf32>
    %reduce_max3A_174 = arith.constant dense<0xFF800000> : vector<256xf32>
    %reduce_max3A_175 = vector.multi_reduction <maximumf>, %select_n3A_173, %reduce_max3A_174 [1] : vector<256x80xf32> to vector<256xf32>
    %broadcast_in_dim3A_176 = vector.shape_cast %reduce_max3A_175 : vector<256xf32> to vector<256x1xf32>
    %eq3A_177 = vector.broadcast %broadcast_in_dim3A_176 : vector<256x1xf32> to vector<256x80xf32>
    %eq3A_178 = arith.cmpf oeq, %select_n3A_173, %eq3A_177 : vector<256x80xf32>
    %jit3A_179 = arith.constant 80 : i32
    %broadcast_in_dim3A_180 = vector.broadcast %jit3A_179 : i32 to vector<256x80xi32>
    %select_n3A_181 = arith.select %eq3A_178, %iota3A_13, %broadcast_in_dim3A_180 : vector<256x80xi1>, vector<256x80xi32>
    %reduce_min3A_182 = arith.constant dense<2147483647> : vector<256xi32>
    %reduce_min3A_183 = vector.multi_reduction <minsi>, %select_n3A_181, %reduce_min3A_182 [1] : vector<256x80xi32> to vector<256xi32>
    %broadcast_in_dim3A_184 = vector.shape_cast %reduce_min3A_183 : vector<256xi32> to vector<256x1xi32>
    %eq3A_185 = vector.broadcast %broadcast_in_dim3A_184 : vector<256x1xi32> to vector<256x80xi32>
    %eq3A_186 = arith.cmpi eq, %iota3A_13, %eq3A_185 : vector<256x80xi32>
    %jit3A_187 = arith.constant 1.000000e+00 : f32
    %jit3A_188 = arith.constant 0.000000e+00 : f32
    %broadcast_in_dim3A_189 = vector.broadcast %jit3A_187 : f32 to vector<256x80xf32>
    %broadcast_in_dim3A_190 = vector.broadcast %jit3A_188 : f32 to vector<256x80xf32>
    %select_n3A_191 = arith.select %eq3A_186, %broadcast_in_dim3A_189, %broadcast_in_dim3A_190 : vector<256x80xi1>, vector<256x80xf32>
    %broadcast_in_dim3A_192 = vector.shape_cast %reduce_min3A_183 : vector<256xi32> to vector<256x1xi32>
    %mul3A_193 = arith.constant 128 : i32
    %mul3A_194 = vector.broadcast %mul3A_193 : i32 to vector<256x1xi32>
    %mul3A_195 = arith.muli %broadcast_in_dim3A_192, %mul3A_194 : vector<256x1xi32>
    %add3A_196 = vector.broadcast %mul3A_195 : vector<256x1xi32> to vector<256x128xi32>
    %add3A_197 = arith.addi %add3A_196, %iota3A_14 : vector<256x128xi32>
    %jit3A_198 = arith.constant -3.000000e+38 : f32
    %broadcast_in_dim3A_199 = vector.broadcast %jit3A_198 : f32 to vector<256x80xf32>
    %select_n3A_200 = arith.select %eq3A_186, %broadcast_in_dim3A_199, %select_n3A_173 : vector<256x80xi1>, vector<256x80xf32>
    %reduce_max3A_201 = arith.constant dense<0xFF800000> : vector<256xf32>
    %reduce_max3A_202 = vector.multi_reduction <maximumf>, %select_n3A_200, %reduce_max3A_201 [1] : vector<256x80xf32> to vector<256xf32>
    %broadcast_in_dim3A_203 = vector.shape_cast %reduce_max3A_202 : vector<256xf32> to vector<256x1xf32>
    %eq3A_204 = vector.broadcast %broadcast_in_dim3A_203 : vector<256x1xf32> to vector<256x80xf32>
    %eq3A_205 = arith.cmpf oeq, %select_n3A_200, %eq3A_204 : vector<256x80xf32>
    %jit3A_206 = arith.constant 80 : i32
    %broadcast_in_dim3A_207 = vector.broadcast %jit3A_206 : i32 to vector<256x80xi32>
    %select_n3A_208 = arith.select %eq3A_205, %iota3A_13, %broadcast_in_dim3A_207 : vector<256x80xi1>, vector<256x80xi32>
    %reduce_min3A_209 = arith.constant dense<2147483647> : vector<256xi32>
    %reduce_min3A_210 = vector.multi_reduction <minsi>, %select_n3A_208, %reduce_min3A_209 [1] : vector<256x80xi32> to vector<256xi32>
    %broadcast_in_dim3A_211 = vector.shape_cast %reduce_min3A_210 : vector<256xi32> to vector<256x1xi32>
    %eq3A_212 = vector.broadcast %broadcast_in_dim3A_211 : vector<256x1xi32> to vector<256x80xi32>
    %eq3A_213 = arith.cmpi eq, %iota3A_13, %eq3A_212 : vector<256x80xi32>
    %jit3A_214 = arith.constant 1.000000e+00 : f32
    %jit3A_215 = arith.constant 0.000000e+00 : f32
    %broadcast_in_dim3A_216 = vector.broadcast %jit3A_214 : f32 to vector<256x80xf32>
    %broadcast_in_dim3A_217 = vector.broadcast %jit3A_215 : f32 to vector<256x80xf32>
    %select_n3A_218 = arith.select %eq3A_213, %broadcast_in_dim3A_216, %broadcast_in_dim3A_217 : vector<256x80xi1>, vector<256x80xf32>
    %broadcast_in_dim3A_219 = vector.shape_cast %reduce_min3A_210 : vector<256xi32> to vector<256x1xi32>
    %mul3A_220 = arith.constant 128 : i32
    %mul3A_221 = vector.broadcast %mul3A_220 : i32 to vector<256x1xi32>
    %mul3A_222 = arith.muli %broadcast_in_dim3A_219, %mul3A_221 : vector<256x1xi32>
    %add3A_223 = vector.broadcast %mul3A_222 : vector<256x1xi32> to vector<256x128xi32>
    %add3A_224 = arith.addi %add3A_223, %iota3A_14 : vector<256x128xi32>
    %jit3A_225 = arith.constant -3.000000e+38 : f32
    %broadcast_in_dim3A_226 = vector.broadcast %jit3A_225 : f32 to vector<256x80xf32>
    %select_n3A_227 = arith.select %eq3A_213, %broadcast_in_dim3A_226, %select_n3A_200 : vector<256x80xi1>, vector<256x80xf32>
    %reduce_max3A_228 = arith.constant dense<0xFF800000> : vector<256xf32>
    %reduce_max3A_229 = vector.multi_reduction <maximumf>, %select_n3A_227, %reduce_max3A_228 [1] : vector<256x80xf32> to vector<256xf32>
    %broadcast_in_dim3A_230 = vector.shape_cast %reduce_max3A_229 : vector<256xf32> to vector<256x1xf32>
    %eq3A_231 = vector.broadcast %broadcast_in_dim3A_230 : vector<256x1xf32> to vector<256x80xf32>
    %eq3A_232 = arith.cmpf oeq, %select_n3A_227, %eq3A_231 : vector<256x80xf32>
    %jit3A_233 = arith.constant 80 : i32
    %broadcast_in_dim3A_234 = vector.broadcast %jit3A_233 : i32 to vector<256x80xi32>
    %select_n3A_235 = arith.select %eq3A_232, %iota3A_13, %broadcast_in_dim3A_234 : vector<256x80xi1>, vector<256x80xi32>
    %reduce_min3A_236 = arith.constant dense<2147483647> : vector<256xi32>
    %reduce_min3A_237 = vector.multi_reduction <minsi>, %select_n3A_235, %reduce_min3A_236 [1] : vector<256x80xi32> to vector<256xi32>
    %broadcast_in_dim3A_238 = vector.shape_cast %reduce_min3A_237 : vector<256xi32> to vector<256x1xi32>
    %eq3A_239 = vector.broadcast %broadcast_in_dim3A_238 : vector<256x1xi32> to vector<256x80xi32>
    %eq3A_240 = arith.cmpi eq, %iota3A_13, %eq3A_239 : vector<256x80xi32>
    %jit3A_241 = arith.constant 1.000000e+00 : f32
    %jit3A_242 = arith.constant 0.000000e+00 : f32
    %broadcast_in_dim3A_243 = vector.broadcast %jit3A_241 : f32 to vector<256x80xf32>
    %broadcast_in_dim3A_244 = vector.broadcast %jit3A_242 : f32 to vector<256x80xf32>
    %select_n3A_245 = arith.select %eq3A_240, %broadcast_in_dim3A_243, %broadcast_in_dim3A_244 : vector<256x80xi1>, vector<256x80xf32>
    %broadcast_in_dim3A_246 = vector.shape_cast %reduce_min3A_237 : vector<256xi32> to vector<256x1xi32>
    %mul3A_247 = arith.constant 128 : i32
    %mul3A_248 = vector.broadcast %mul3A_247 : i32 to vector<256x1xi32>
    %mul3A_249 = arith.muli %broadcast_in_dim3A_246, %mul3A_248 : vector<256x1xi32>
    %add3A_250 = vector.broadcast %mul3A_249 : vector<256x1xi32> to vector<256x128xi32>
    %add3A_251 = arith.addi %add3A_250, %iota3A_14 : vector<256x128xi32>
    %jit3A_252 = arith.constant -3.000000e+38 : f32
    %broadcast_in_dim3A_253 = vector.broadcast %jit3A_252 : f32 to vector<256x80xf32>
    %select_n3A_254 = arith.select %eq3A_240, %broadcast_in_dim3A_253, %select_n3A_227 : vector<256x80xi1>, vector<256x80xf32>
    %reduce_max3A_255 = arith.constant dense<0xFF800000> : vector<256xf32>
    %reduce_max3A_256 = vector.multi_reduction <maximumf>, %select_n3A_254, %reduce_max3A_255 [1] : vector<256x80xf32> to vector<256xf32>
    %broadcast_in_dim3A_257 = vector.shape_cast %reduce_max3A_256 : vector<256xf32> to vector<256x1xf32>
    %eq3A_258 = vector.broadcast %broadcast_in_dim3A_257 : vector<256x1xf32> to vector<256x80xf32>
    %eq3A_259 = arith.cmpf oeq, %select_n3A_254, %eq3A_258 : vector<256x80xf32>
    %jit3A_260 = arith.constant 80 : i32
    %broadcast_in_dim3A_261 = vector.broadcast %jit3A_260 : i32 to vector<256x80xi32>
    %select_n3A_262 = arith.select %eq3A_259, %iota3A_13, %broadcast_in_dim3A_261 : vector<256x80xi1>, vector<256x80xi32>
    %reduce_min3A_263 = arith.constant dense<2147483647> : vector<256xi32>
    %reduce_min3A_264 = vector.multi_reduction <minsi>, %select_n3A_262, %reduce_min3A_263 [1] : vector<256x80xi32> to vector<256xi32>
    %broadcast_in_dim3A_265 = vector.shape_cast %reduce_min3A_264 : vector<256xi32> to vector<256x1xi32>
    %eq3A_266 = vector.broadcast %broadcast_in_dim3A_265 : vector<256x1xi32> to vector<256x80xi32>
    %eq3A_267 = arith.cmpi eq, %iota3A_13, %eq3A_266 : vector<256x80xi32>
    %jit3A_268 = arith.constant 1.000000e+00 : f32
    %jit3A_269 = arith.constant 0.000000e+00 : f32
    %broadcast_in_dim3A_270 = vector.broadcast %jit3A_268 : f32 to vector<256x80xf32>
    %broadcast_in_dim3A_271 = vector.broadcast %jit3A_269 : f32 to vector<256x80xf32>
    %select_n3A_272 = arith.select %eq3A_267, %broadcast_in_dim3A_270, %broadcast_in_dim3A_271 : vector<256x80xi1>, vector<256x80xf32>
    %broadcast_in_dim3A_273 = vector.shape_cast %reduce_min3A_264 : vector<256xi32> to vector<256x1xi32>
    %mul3A_274 = arith.constant 128 : i32
    %mul3A_275 = vector.broadcast %mul3A_274 : i32 to vector<256x1xi32>
    %mul3A_276 = arith.muli %broadcast_in_dim3A_273, %mul3A_275 : vector<256x1xi32>
    %add3A_277 = vector.broadcast %mul3A_276 : vector<256x1xi32> to vector<256x128xi32>
    %add3A_278 = arith.addi %add3A_277, %iota3A_14 : vector<256x128xi32>
    %jit3A_279 = arith.constant -3.000000e+38 : f32
    %broadcast_in_dim3A_280 = vector.broadcast %jit3A_279 : f32 to vector<256x80xf32>
    %select_n3A_281 = arith.select %eq3A_267, %broadcast_in_dim3A_280, %select_n3A_254 : vector<256x80xi1>, vector<256x80xf32>
    %reduce_max3A_282 = arith.constant dense<0xFF800000> : vector<256xf32>
    %reduce_max3A_283 = vector.multi_reduction <maximumf>, %select_n3A_281, %reduce_max3A_282 [1] : vector<256x80xf32> to vector<256xf32>
    %broadcast_in_dim3A_284 = vector.shape_cast %reduce_max3A_283 : vector<256xf32> to vector<256x1xf32>
    %eq3A_285 = vector.broadcast %broadcast_in_dim3A_284 : vector<256x1xf32> to vector<256x80xf32>
    %eq3A_286 = arith.cmpf oeq, %select_n3A_281, %eq3A_285 : vector<256x80xf32>
    %jit3A_287 = arith.constant 80 : i32
    %broadcast_in_dim3A_288 = vector.broadcast %jit3A_287 : i32 to vector<256x80xi32>
    %select_n3A_289 = arith.select %eq3A_286, %iota3A_13, %broadcast_in_dim3A_288 : vector<256x80xi1>, vector<256x80xi32>
    %reduce_min3A_290 = arith.constant dense<2147483647> : vector<256xi32>
    %reduce_min3A_291 = vector.multi_reduction <minsi>, %select_n3A_289, %reduce_min3A_290 [1] : vector<256x80xi32> to vector<256xi32>
    %broadcast_in_dim3A_292 = vector.shape_cast %reduce_min3A_291 : vector<256xi32> to vector<256x1xi32>
    %eq3A_293 = vector.broadcast %broadcast_in_dim3A_292 : vector<256x1xi32> to vector<256x80xi32>
    %eq3A_294 = arith.cmpi eq, %iota3A_13, %eq3A_293 : vector<256x80xi32>
    %jit3A_295 = arith.constant 1.000000e+00 : f32
    %jit3A_296 = arith.constant 0.000000e+00 : f32
    %broadcast_in_dim3A_297 = vector.broadcast %jit3A_295 : f32 to vector<256x80xf32>
    %broadcast_in_dim3A_298 = vector.broadcast %jit3A_296 : f32 to vector<256x80xf32>
    %select_n3A_299 = arith.select %eq3A_294, %broadcast_in_dim3A_297, %broadcast_in_dim3A_298 : vector<256x80xi1>, vector<256x80xf32>
    %broadcast_in_dim3A_300 = vector.shape_cast %reduce_min3A_291 : vector<256xi32> to vector<256x1xi32>
    %mul3A_301 = arith.constant 128 : i32
    %mul3A_302 = vector.broadcast %mul3A_301 : i32 to vector<256x1xi32>
    %mul3A_303 = arith.muli %broadcast_in_dim3A_300, %mul3A_302 : vector<256x1xi32>
    %add3A_304 = vector.broadcast %mul3A_303 : vector<256x1xi32> to vector<256x128xi32>
    %add3A_305 = arith.addi %add3A_304, %iota3A_14 : vector<256x128xi32>
    %jit3A_306 = arith.constant -3.000000e+38 : f32
    %broadcast_in_dim3A_307 = vector.broadcast %jit3A_306 : f32 to vector<256x80xf32>
    %select_n3A_308 = arith.select %eq3A_294, %broadcast_in_dim3A_307, %select_n3A_281 : vector<256x80xi1>, vector<256x80xf32>
    %reduce_max3A_309 = arith.constant dense<0xFF800000> : vector<256xf32>
    %reduce_max3A_310 = vector.multi_reduction <maximumf>, %select_n3A_308, %reduce_max3A_309 [1] : vector<256x80xf32> to vector<256xf32>
    %broadcast_in_dim3A_311 = vector.shape_cast %reduce_max3A_310 : vector<256xf32> to vector<256x1xf32>
    %eq3A_312 = vector.broadcast %broadcast_in_dim3A_311 : vector<256x1xf32> to vector<256x80xf32>
    %eq3A_313 = arith.cmpf oeq, %select_n3A_308, %eq3A_312 : vector<256x80xf32>
    %jit3A_314 = arith.constant 80 : i32
    %broadcast_in_dim3A_315 = vector.broadcast %jit3A_314 : i32 to vector<256x80xi32>
    %select_n3A_316 = arith.select %eq3A_313, %iota3A_13, %broadcast_in_dim3A_315 : vector<256x80xi1>, vector<256x80xi32>
    %reduce_min3A_317 = arith.constant dense<2147483647> : vector<256xi32>
    %reduce_min3A_318 = vector.multi_reduction <minsi>, %select_n3A_316, %reduce_min3A_317 [1] : vector<256x80xi32> to vector<256xi32>
    %broadcast_in_dim3A_319 = vector.shape_cast %reduce_min3A_318 : vector<256xi32> to vector<256x1xi32>
    %eq3A_320 = vector.broadcast %broadcast_in_dim3A_319 : vector<256x1xi32> to vector<256x80xi32>
    %eq3A_321 = arith.cmpi eq, %iota3A_13, %eq3A_320 : vector<256x80xi32>
    %jit3A_322 = arith.constant 1.000000e+00 : f32
    %jit3A_323 = arith.constant 0.000000e+00 : f32
    %broadcast_in_dim3A_324 = vector.broadcast %jit3A_322 : f32 to vector<256x80xf32>
    %broadcast_in_dim3A_325 = vector.broadcast %jit3A_323 : f32 to vector<256x80xf32>
    %select_n3A_326 = arith.select %eq3A_321, %broadcast_in_dim3A_324, %broadcast_in_dim3A_325 : vector<256x80xi1>, vector<256x80xf32>
    %broadcast_in_dim3A_327 = vector.shape_cast %reduce_min3A_318 : vector<256xi32> to vector<256x1xi32>
    %mul3A_328 = arith.constant 128 : i32
    %mul3A_329 = vector.broadcast %mul3A_328 : i32 to vector<256x1xi32>
    %mul3A_330 = arith.muli %broadcast_in_dim3A_327, %mul3A_329 : vector<256x1xi32>
    %add3A_331 = vector.broadcast %mul3A_330 : vector<256x1xi32> to vector<256x128xi32>
    %add3A_332 = arith.addi %add3A_331, %iota3A_14 : vector<256x128xi32>
    %jit3A_333 = arith.constant -3.000000e+38 : f32
    %broadcast_in_dim3A_334 = vector.broadcast %jit3A_333 : f32 to vector<256x80xf32>
    %select_n3A_335 = arith.select %eq3A_321, %broadcast_in_dim3A_334, %select_n3A_308 : vector<256x80xi1>, vector<256x80xf32>
    %reduce_max3A_336 = arith.constant dense<0xFF800000> : vector<256xf32>
    %reduce_max3A_337 = vector.multi_reduction <maximumf>, %select_n3A_335, %reduce_max3A_336 [1] : vector<256x80xf32> to vector<256xf32>
    %broadcast_in_dim3A_338 = vector.shape_cast %reduce_max3A_337 : vector<256xf32> to vector<256x1xf32>
    %eq3A_339 = vector.broadcast %broadcast_in_dim3A_338 : vector<256x1xf32> to vector<256x80xf32>
    %eq3A_340 = arith.cmpf oeq, %select_n3A_335, %eq3A_339 : vector<256x80xf32>
    %jit3A_341 = arith.constant 80 : i32
    %broadcast_in_dim3A_342 = vector.broadcast %jit3A_341 : i32 to vector<256x80xi32>
    %select_n3A_343 = arith.select %eq3A_340, %iota3A_13, %broadcast_in_dim3A_342 : vector<256x80xi1>, vector<256x80xi32>
    %reduce_min3A_344 = arith.constant dense<2147483647> : vector<256xi32>
    %reduce_min3A_345 = vector.multi_reduction <minsi>, %select_n3A_343, %reduce_min3A_344 [1] : vector<256x80xi32> to vector<256xi32>
    %broadcast_in_dim3A_346 = vector.shape_cast %reduce_min3A_345 : vector<256xi32> to vector<256x1xi32>
    %eq3A_347 = vector.broadcast %broadcast_in_dim3A_346 : vector<256x1xi32> to vector<256x80xi32>
    %eq3A_348 = arith.cmpi eq, %iota3A_13, %eq3A_347 : vector<256x80xi32>
    %jit3A_349 = arith.constant 1.000000e+00 : f32
    %jit3A_350 = arith.constant 0.000000e+00 : f32
    %broadcast_in_dim3A_351 = vector.broadcast %jit3A_349 : f32 to vector<256x80xf32>
    %broadcast_in_dim3A_352 = vector.broadcast %jit3A_350 : f32 to vector<256x80xf32>
    %select_n3A_353 = arith.select %eq3A_348, %broadcast_in_dim3A_351, %broadcast_in_dim3A_352 : vector<256x80xi1>, vector<256x80xf32>
    %broadcast_in_dim3A_354 = vector.shape_cast %reduce_min3A_345 : vector<256xi32> to vector<256x1xi32>
    %mul3A_355 = arith.constant 128 : i32
    %mul3A_356 = vector.broadcast %mul3A_355 : i32 to vector<256x1xi32>
    %mul3A_357 = arith.muli %broadcast_in_dim3A_354, %mul3A_356 : vector<256x1xi32>
    %add3A_358 = vector.broadcast %mul3A_357 : vector<256x1xi32> to vector<256x128xi32>
    %add3A_359 = arith.addi %add3A_358, %iota3A_14 : vector<256x128xi32>
    %jit3A_360 = arith.constant -3.000000e+38 : f32
    %broadcast_in_dim3A_361 = vector.broadcast %jit3A_360 : f32 to vector<256x80xf32>
    %select_n3A_362 = arith.select %eq3A_348, %broadcast_in_dim3A_361, %select_n3A_335 : vector<256x80xi1>, vector<256x80xf32>
    %reduce_max3A_363 = arith.constant dense<0xFF800000> : vector<256xf32>
    %reduce_max3A_364 = vector.multi_reduction <maximumf>, %select_n3A_362, %reduce_max3A_363 [1] : vector<256x80xf32> to vector<256xf32>
    %broadcast_in_dim3A_365 = vector.shape_cast %reduce_max3A_364 : vector<256xf32> to vector<256x1xf32>
    %eq3A_366 = vector.broadcast %broadcast_in_dim3A_365 : vector<256x1xf32> to vector<256x80xf32>
    %eq3A_367 = arith.cmpf oeq, %select_n3A_362, %eq3A_366 : vector<256x80xf32>
    %jit3A_368 = arith.constant 80 : i32
    %broadcast_in_dim3A_369 = vector.broadcast %jit3A_368 : i32 to vector<256x80xi32>
    %select_n3A_370 = arith.select %eq3A_367, %iota3A_13, %broadcast_in_dim3A_369 : vector<256x80xi1>, vector<256x80xi32>
    %reduce_min3A_371 = arith.constant dense<2147483647> : vector<256xi32>
    %reduce_min3A_372 = vector.multi_reduction <minsi>, %select_n3A_370, %reduce_min3A_371 [1] : vector<256x80xi32> to vector<256xi32>
    %broadcast_in_dim3A_373 = vector.shape_cast %reduce_min3A_372 : vector<256xi32> to vector<256x1xi32>
    %eq3A_374 = vector.broadcast %broadcast_in_dim3A_373 : vector<256x1xi32> to vector<256x80xi32>
    %eq3A_375 = arith.cmpi eq, %iota3A_13, %eq3A_374 : vector<256x80xi32>
    %jit3A_376 = arith.constant 1.000000e+00 : f32
    %jit3A_377 = arith.constant 0.000000e+00 : f32
    %broadcast_in_dim3A_378 = vector.broadcast %jit3A_376 : f32 to vector<256x80xf32>
    %broadcast_in_dim3A_379 = vector.broadcast %jit3A_377 : f32 to vector<256x80xf32>
    %select_n3A_380 = arith.select %eq3A_375, %broadcast_in_dim3A_378, %broadcast_in_dim3A_379 : vector<256x80xi1>, vector<256x80xf32>
    %broadcast_in_dim3A_381 = vector.shape_cast %reduce_min3A_372 : vector<256xi32> to vector<256x1xi32>
    %mul3A_382 = arith.constant 128 : i32
    %mul3A_383 = vector.broadcast %mul3A_382 : i32 to vector<256x1xi32>
    %mul3A_384 = arith.muli %broadcast_in_dim3A_381, %mul3A_383 : vector<256x1xi32>
    %add3A_385 = vector.broadcast %mul3A_384 : vector<256x1xi32> to vector<256x128xi32>
    %add3A_386 = arith.addi %add3A_385, %iota3A_14 : vector<256x128xi32>
    %jit3A_387 = arith.constant -3.000000e+38 : f32
    %broadcast_in_dim3A_388 = vector.broadcast %jit3A_387 : f32 to vector<256x80xf32>
    %select_n3A_389 = arith.select %eq3A_375, %broadcast_in_dim3A_388, %select_n3A_362 : vector<256x80xi1>, vector<256x80xf32>
    %reduce_max3A_390 = arith.constant dense<0xFF800000> : vector<256xf32>
    %reduce_max3A_391 = vector.multi_reduction <maximumf>, %select_n3A_389, %reduce_max3A_390 [1] : vector<256x80xf32> to vector<256xf32>
    %broadcast_in_dim3A_392 = vector.shape_cast %reduce_max3A_391 : vector<256xf32> to vector<256x1xf32>
    %eq3A_393 = vector.broadcast %broadcast_in_dim3A_392 : vector<256x1xf32> to vector<256x80xf32>
    %eq3A_394 = arith.cmpf oeq, %select_n3A_389, %eq3A_393 : vector<256x80xf32>
    %jit3A_395 = arith.constant 80 : i32
    %broadcast_in_dim3A_396 = vector.broadcast %jit3A_395 : i32 to vector<256x80xi32>
    %select_n3A_397 = arith.select %eq3A_394, %iota3A_13, %broadcast_in_dim3A_396 : vector<256x80xi1>, vector<256x80xi32>
    %reduce_min3A_398 = arith.constant dense<2147483647> : vector<256xi32>
    %reduce_min3A_399 = vector.multi_reduction <minsi>, %select_n3A_397, %reduce_min3A_398 [1] : vector<256x80xi32> to vector<256xi32>
    %broadcast_in_dim3A_400 = vector.shape_cast %reduce_min3A_399 : vector<256xi32> to vector<256x1xi32>
    %eq3A_401 = vector.broadcast %broadcast_in_dim3A_400 : vector<256x1xi32> to vector<256x80xi32>
    %eq3A_402 = arith.cmpi eq, %iota3A_13, %eq3A_401 : vector<256x80xi32>
    %jit3A_403 = arith.constant 1.000000e+00 : f32
    %jit3A_404 = arith.constant 0.000000e+00 : f32
    %broadcast_in_dim3A_405 = vector.broadcast %jit3A_403 : f32 to vector<256x80xf32>
    %broadcast_in_dim3A_406 = vector.broadcast %jit3A_404 : f32 to vector<256x80xf32>
    %select_n3A_407 = arith.select %eq3A_402, %broadcast_in_dim3A_405, %broadcast_in_dim3A_406 : vector<256x80xi1>, vector<256x80xf32>
    %broadcast_in_dim3A_408 = vector.shape_cast %reduce_min3A_399 : vector<256xi32> to vector<256x1xi32>
    %mul3A_409 = arith.constant 128 : i32
    %mul3A_410 = vector.broadcast %mul3A_409 : i32 to vector<256x1xi32>
    %mul3A_411 = arith.muli %broadcast_in_dim3A_408, %mul3A_410 : vector<256x1xi32>
    %add3A_412 = vector.broadcast %mul3A_411 : vector<256x1xi32> to vector<256x128xi32>
    %add3A_413 = arith.addi %add3A_412, %iota3A_14 : vector<256x128xi32>
    %jit3A_414 = arith.constant -3.000000e+38 : f32
    %broadcast_in_dim3A_415 = vector.broadcast %jit3A_414 : f32 to vector<256x80xf32>
    %select_n3A_416 = arith.select %eq3A_402, %broadcast_in_dim3A_415, %select_n3A_389 : vector<256x80xi1>, vector<256x80xf32>
    %reduce_max3A_417 = arith.constant dense<0xFF800000> : vector<256xf32>
    %reduce_max3A_418 = vector.multi_reduction <maximumf>, %select_n3A_416, %reduce_max3A_417 [1] : vector<256x80xf32> to vector<256xf32>
    %broadcast_in_dim3A_419 = vector.shape_cast %reduce_max3A_418 : vector<256xf32> to vector<256x1xf32>
    %eq3A_420 = vector.broadcast %broadcast_in_dim3A_419 : vector<256x1xf32> to vector<256x80xf32>
    %eq3A_421 = arith.cmpf oeq, %select_n3A_416, %eq3A_420 : vector<256x80xf32>
    %jit3A_422 = arith.constant 80 : i32
    %broadcast_in_dim3A_423 = vector.broadcast %jit3A_422 : i32 to vector<256x80xi32>
    %select_n3A_424 = arith.select %eq3A_421, %iota3A_13, %broadcast_in_dim3A_423 : vector<256x80xi1>, vector<256x80xi32>
    %reduce_min3A_425 = arith.constant dense<2147483647> : vector<256xi32>
    %reduce_min3A_426 = vector.multi_reduction <minsi>, %select_n3A_424, %reduce_min3A_425 [1] : vector<256x80xi32> to vector<256xi32>
    %broadcast_in_dim3A_427 = vector.shape_cast %reduce_min3A_426 : vector<256xi32> to vector<256x1xi32>
    %eq3A_428 = vector.broadcast %broadcast_in_dim3A_427 : vector<256x1xi32> to vector<256x80xi32>
    %eq3A_429 = arith.cmpi eq, %iota3A_13, %eq3A_428 : vector<256x80xi32>
    %jit3A_430 = arith.constant 1.000000e+00 : f32
    %jit3A_431 = arith.constant 0.000000e+00 : f32
    %broadcast_in_dim3A_432 = vector.broadcast %jit3A_430 : f32 to vector<256x80xf32>
    %broadcast_in_dim3A_433 = vector.broadcast %jit3A_431 : f32 to vector<256x80xf32>
    %select_n3A_434 = arith.select %eq3A_429, %broadcast_in_dim3A_432, %broadcast_in_dim3A_433 : vector<256x80xi1>, vector<256x80xf32>
    %broadcast_in_dim3A_435 = vector.shape_cast %reduce_min3A_426 : vector<256xi32> to vector<256x1xi32>
    %mul3A_436 = arith.constant 128 : i32
    %mul3A_437 = vector.broadcast %mul3A_436 : i32 to vector<256x1xi32>
    %mul3A_438 = arith.muli %broadcast_in_dim3A_435, %mul3A_437 : vector<256x1xi32>
    %add3A_439 = vector.broadcast %mul3A_438 : vector<256x1xi32> to vector<256x128xi32>
    %add3A_440 = arith.addi %add3A_439, %iota3A_14 : vector<256x128xi32>
    %concatenate3A = tpu.concatenate %select_n3A_30, %select_n3A_56, %select_n3A_83, %select_n3A_110, %select_n3A_137, %select_n3A_164, %select_n3A_191, %select_n3A_218, %select_n3A_245, %select_n3A_272, %select_n3A_299, %select_n3A_326, %select_n3A_353, %select_n3A_380, %select_n3A_407, %select_n3A_434 in 1 : vector<256x80xf32>, vector<256x80xf32>, vector<256x80xf32>, vector<256x80xf32>, vector<256x80xf32>, vector<256x80xf32>, vector<256x80xf32>, vector<256x80xf32>, vector<256x80xf32>, vector<256x80xf32>, vector<256x80xf32>, vector<256x80xf32>, vector<256x80xf32>, vector<256x80xf32>, vector<256x80xf32>, vector<256x80xf32> -> vector<256x1280xf32>
    %reshape3A_441 = vector.shape_cast %concatenate3A : vector<256x1280xf32> to vector<256x16x80xf32>
    %reshape3A_442 = vector.shape_cast %select_n3A : vector<256x10240xf32> to vector<256x80x128xf32>
    %dot_general3A_443 = arith.constant dense<0.000000e+00> : vector<256x16x128xf32>
    %dot_general3A_444 = tpu.matmul %reshape3A_441, %reshape3A_442, %dot_general3A_443 {dimension_numbers = #tpu.dot_dimension_numbers<[2], [1], [1], [2], [0, 0, 0, 1, 1, 2], [0], [0]>, precision = #tpu.contract_precision<fp32>, transpose_lhs_hint = false} : vector<256x16x80xf32>, vector<256x80x128xf32>, vector<256x16x128xf32> -> vector<256x16x128xf32>
    %reshape3A_445 = vector.shape_cast %dot_general3A_444 : vector<256x16x128xf32> to vector<256x2048xf32>
    %concatenate3A_446 = tpu.concatenate %add3A_35, %add3A_62, %add3A_89, %add3A_116, %add3A_143, %add3A_170, %add3A_197, %add3A_224, %add3A_251, %add3A_278, %add3A_305, %add3A_332, %add3A_359, %add3A_386, %add3A_413, %add3A_440 in 1 : vector<256x128xi32>, vector<256x128xi32>, vector<256x128xi32>, vector<256x128xi32>, vector<256x128xi32>, vector<256x128xi32>, vector<256x128xi32>, vector<256x128xi32>, vector<256x128xi32>, vector<256x128xi32>, vector<256x128xi32>, vector<256x128xi32>, vector<256x128xi32>, vector<256x128xi32>, vector<256x128xi32>, vector<256x128xi32> -> vector<256x2048xi32>
    %reduce_max3A_447 = arith.constant dense<0xFF800000> : vector<256xf32>
    %reduce_max3A_448 = vector.multi_reduction <maximumf>, %reshape3A_445, %reduce_max3A_447 [1] : vector<256x2048xf32> to vector<256xf32>
    %broadcast_in_dim3A_449 = vector.shape_cast %reduce_max3A_448 : vector<256xf32> to vector<256x1xf32>
    %eq3A_450 = vector.broadcast %broadcast_in_dim3A_449 : vector<256x1xf32> to vector<256x2048xf32>
    %eq3A_451 = arith.cmpf oeq, %reshape3A_445, %eq3A_450 : vector<256x2048xf32>
    %jit3A_452 = arith.constant 1073741824 : i32
    %broadcast_in_dim3A_453 = vector.broadcast %jit3A_452 : i32 to vector<256x2048xi32>
    %select_n3A_454 = arith.select %eq3A_451, %concatenate3A_446, %broadcast_in_dim3A_453 : vector<256x2048xi1>, vector<256x2048xi32>
    %reduce_min3A_455 = arith.constant dense<2147483647> : vector<256xi32>
    %reduce_min3A_456 = vector.multi_reduction <minsi>, %select_n3A_454, %reduce_min3A_455 [1] : vector<256x2048xi32> to vector<256xi32>
    %broadcast_in_dim3A_457 = vector.shape_cast %reduce_min3A_456 : vector<256xi32> to vector<256x1xi32>
    %broadcast_in_dim3A_458 = vector.shape_cast %reduce_min3A_456 : vector<256xi32> to vector<256x1xi32>
    %eq3A_459 = vector.broadcast %broadcast_in_dim3A_458 : vector<256x1xi32> to vector<256x2048xi32>
    %eq3A_460 = arith.cmpi eq, %concatenate3A_446, %eq3A_459 : vector<256x2048xi32>
    %jit3A_461 = arith.constant -3.000000e+38 : f32
    %broadcast_in_dim3A_462 = vector.broadcast %jit3A_461 : f32 to vector<256x2048xf32>
    %select_n3A_463 = arith.select %eq3A_460, %broadcast_in_dim3A_462, %reshape3A_445 : vector<256x2048xi1>, vector<256x2048xf32>
    %reduce_max3A_464 = arith.constant dense<0xFF800000> : vector<256xf32>
    %reduce_max3A_465 = vector.multi_reduction <maximumf>, %select_n3A_463, %reduce_max3A_464 [1] : vector<256x2048xf32> to vector<256xf32>
    %broadcast_in_dim3A_466 = vector.shape_cast %reduce_max3A_465 : vector<256xf32> to vector<256x1xf32>
    %eq3A_467 = vector.broadcast %broadcast_in_dim3A_466 : vector<256x1xf32> to vector<256x2048xf32>
    %eq3A_468 = arith.cmpf oeq, %select_n3A_463, %eq3A_467 : vector<256x2048xf32>
    %jit3A_469 = arith.constant 1073741824 : i32
    %broadcast_in_dim3A_470 = vector.broadcast %jit3A_469 : i32 to vector<256x2048xi32>
    %select_n3A_471 = arith.select %eq3A_468, %concatenate3A_446, %broadcast_in_dim3A_470 : vector<256x2048xi1>, vector<256x2048xi32>
    %reduce_min3A_472 = arith.constant dense<2147483647> : vector<256xi32>
    %reduce_min3A_473 = vector.multi_reduction <minsi>, %select_n3A_471, %reduce_min3A_472 [1] : vector<256x2048xi32> to vector<256xi32>
    %broadcast_in_dim3A_474 = vector.shape_cast %reduce_min3A_473 : vector<256xi32> to vector<256x1xi32>
    %broadcast_in_dim3A_475 = vector.shape_cast %reduce_min3A_473 : vector<256xi32> to vector<256x1xi32>
    %eq3A_476 = vector.broadcast %broadcast_in_dim3A_475 : vector<256x1xi32> to vector<256x2048xi32>
    %eq3A_477 = arith.cmpi eq, %concatenate3A_446, %eq3A_476 : vector<256x2048xi32>
    %jit3A_478 = arith.constant -3.000000e+38 : f32
    %broadcast_in_dim3A_479 = vector.broadcast %jit3A_478 : f32 to vector<256x2048xf32>
    %select_n3A_480 = arith.select %eq3A_477, %broadcast_in_dim3A_479, %select_n3A_463 : vector<256x2048xi1>, vector<256x2048xf32>
    %reduce_max3A_481 = arith.constant dense<0xFF800000> : vector<256xf32>
    %reduce_max3A_482 = vector.multi_reduction <maximumf>, %select_n3A_480, %reduce_max3A_481 [1] : vector<256x2048xf32> to vector<256xf32>
    %broadcast_in_dim3A_483 = vector.shape_cast %reduce_max3A_482 : vector<256xf32> to vector<256x1xf32>
    %eq3A_484 = vector.broadcast %broadcast_in_dim3A_483 : vector<256x1xf32> to vector<256x2048xf32>
    %eq3A_485 = arith.cmpf oeq, %select_n3A_480, %eq3A_484 : vector<256x2048xf32>
    %jit3A_486 = arith.constant 1073741824 : i32
    %broadcast_in_dim3A_487 = vector.broadcast %jit3A_486 : i32 to vector<256x2048xi32>
    %select_n3A_488 = arith.select %eq3A_485, %concatenate3A_446, %broadcast_in_dim3A_487 : vector<256x2048xi1>, vector<256x2048xi32>
    %reduce_min3A_489 = arith.constant dense<2147483647> : vector<256xi32>
    %reduce_min3A_490 = vector.multi_reduction <minsi>, %select_n3A_488, %reduce_min3A_489 [1] : vector<256x2048xi32> to vector<256xi32>
    %broadcast_in_dim3A_491 = vector.shape_cast %reduce_min3A_490 : vector<256xi32> to vector<256x1xi32>
    %broadcast_in_dim3A_492 = vector.shape_cast %reduce_min3A_490 : vector<256xi32> to vector<256x1xi32>
    %eq3A_493 = vector.broadcast %broadcast_in_dim3A_492 : vector<256x1xi32> to vector<256x2048xi32>
    %eq3A_494 = arith.cmpi eq, %concatenate3A_446, %eq3A_493 : vector<256x2048xi32>
    %jit3A_495 = arith.constant -3.000000e+38 : f32
    %broadcast_in_dim3A_496 = vector.broadcast %jit3A_495 : f32 to vector<256x2048xf32>
    %select_n3A_497 = arith.select %eq3A_494, %broadcast_in_dim3A_496, %select_n3A_480 : vector<256x2048xi1>, vector<256x2048xf32>
    %reduce_max3A_498 = arith.constant dense<0xFF800000> : vector<256xf32>
    %reduce_max3A_499 = vector.multi_reduction <maximumf>, %select_n3A_497, %reduce_max3A_498 [1] : vector<256x2048xf32> to vector<256xf32>
    %broadcast_in_dim3A_500 = vector.shape_cast %reduce_max3A_499 : vector<256xf32> to vector<256x1xf32>
    %eq3A_501 = vector.broadcast %broadcast_in_dim3A_500 : vector<256x1xf32> to vector<256x2048xf32>
    %eq3A_502 = arith.cmpf oeq, %select_n3A_497, %eq3A_501 : vector<256x2048xf32>
    %jit3A_503 = arith.constant 1073741824 : i32
    %broadcast_in_dim3A_504 = vector.broadcast %jit3A_503 : i32 to vector<256x2048xi32>
    %select_n3A_505 = arith.select %eq3A_502, %concatenate3A_446, %broadcast_in_dim3A_504 : vector<256x2048xi1>, vector<256x2048xi32>
    %reduce_min3A_506 = arith.constant dense<2147483647> : vector<256xi32>
    %reduce_min3A_507 = vector.multi_reduction <minsi>, %select_n3A_505, %reduce_min3A_506 [1] : vector<256x2048xi32> to vector<256xi32>
    %broadcast_in_dim3A_508 = vector.shape_cast %reduce_min3A_507 : vector<256xi32> to vector<256x1xi32>
    %broadcast_in_dim3A_509 = vector.shape_cast %reduce_min3A_507 : vector<256xi32> to vector<256x1xi32>
    %eq3A_510 = vector.broadcast %broadcast_in_dim3A_509 : vector<256x1xi32> to vector<256x2048xi32>
    %eq3A_511 = arith.cmpi eq, %concatenate3A_446, %eq3A_510 : vector<256x2048xi32>
    %jit3A_512 = arith.constant -3.000000e+38 : f32
    %broadcast_in_dim3A_513 = vector.broadcast %jit3A_512 : f32 to vector<256x2048xf32>
    %select_n3A_514 = arith.select %eq3A_511, %broadcast_in_dim3A_513, %select_n3A_497 : vector<256x2048xi1>, vector<256x2048xf32>
    %reduce_max3A_515 = arith.constant dense<0xFF800000> : vector<256xf32>
    %reduce_max3A_516 = vector.multi_reduction <maximumf>, %select_n3A_514, %reduce_max3A_515 [1] : vector<256x2048xf32> to vector<256xf32>
    %broadcast_in_dim3A_517 = vector.shape_cast %reduce_max3A_516 : vector<256xf32> to vector<256x1xf32>
    %eq3A_518 = vector.broadcast %broadcast_in_dim3A_517 : vector<256x1xf32> to vector<256x2048xf32>
    %eq3A_519 = arith.cmpf oeq, %select_n3A_514, %eq3A_518 : vector<256x2048xf32>
    %jit3A_520 = arith.constant 1073741824 : i32
    %broadcast_in_dim3A_521 = vector.broadcast %jit3A_520 : i32 to vector<256x2048xi32>
    %select_n3A_522 = arith.select %eq3A_519, %concatenate3A_446, %broadcast_in_dim3A_521 : vector<256x2048xi1>, vector<256x2048xi32>
    %reduce_min3A_523 = arith.constant dense<2147483647> : vector<256xi32>
    %reduce_min3A_524 = vector.multi_reduction <minsi>, %select_n3A_522, %reduce_min3A_523 [1] : vector<256x2048xi32> to vector<256xi32>
    %broadcast_in_dim3A_525 = vector.shape_cast %reduce_min3A_524 : vector<256xi32> to vector<256x1xi32>
    %broadcast_in_dim3A_526 = vector.shape_cast %reduce_min3A_524 : vector<256xi32> to vector<256x1xi32>
    %eq3A_527 = vector.broadcast %broadcast_in_dim3A_526 : vector<256x1xi32> to vector<256x2048xi32>
    %eq3A_528 = arith.cmpi eq, %concatenate3A_446, %eq3A_527 : vector<256x2048xi32>
    %jit3A_529 = arith.constant -3.000000e+38 : f32
    %broadcast_in_dim3A_530 = vector.broadcast %jit3A_529 : f32 to vector<256x2048xf32>
    %select_n3A_531 = arith.select %eq3A_528, %broadcast_in_dim3A_530, %select_n3A_514 : vector<256x2048xi1>, vector<256x2048xf32>
    %reduce_max3A_532 = arith.constant dense<0xFF800000> : vector<256xf32>
    %reduce_max3A_533 = vector.multi_reduction <maximumf>, %select_n3A_531, %reduce_max3A_532 [1] : vector<256x2048xf32> to vector<256xf32>
    %broadcast_in_dim3A_534 = vector.shape_cast %reduce_max3A_533 : vector<256xf32> to vector<256x1xf32>
    %eq3A_535 = vector.broadcast %broadcast_in_dim3A_534 : vector<256x1xf32> to vector<256x2048xf32>
    %eq3A_536 = arith.cmpf oeq, %select_n3A_531, %eq3A_535 : vector<256x2048xf32>
    %jit3A_537 = arith.constant 1073741824 : i32
    %broadcast_in_dim3A_538 = vector.broadcast %jit3A_537 : i32 to vector<256x2048xi32>
    %select_n3A_539 = arith.select %eq3A_536, %concatenate3A_446, %broadcast_in_dim3A_538 : vector<256x2048xi1>, vector<256x2048xi32>
    %reduce_min3A_540 = arith.constant dense<2147483647> : vector<256xi32>
    %reduce_min3A_541 = vector.multi_reduction <minsi>, %select_n3A_539, %reduce_min3A_540 [1] : vector<256x2048xi32> to vector<256xi32>
    %broadcast_in_dim3A_542 = vector.shape_cast %reduce_min3A_541 : vector<256xi32> to vector<256x1xi32>
    %broadcast_in_dim3A_543 = vector.shape_cast %reduce_min3A_541 : vector<256xi32> to vector<256x1xi32>
    %eq3A_544 = vector.broadcast %broadcast_in_dim3A_543 : vector<256x1xi32> to vector<256x2048xi32>
    %eq3A_545 = arith.cmpi eq, %concatenate3A_446, %eq3A_544 : vector<256x2048xi32>
    %jit3A_546 = arith.constant -3.000000e+38 : f32
    %broadcast_in_dim3A_547 = vector.broadcast %jit3A_546 : f32 to vector<256x2048xf32>
    %select_n3A_548 = arith.select %eq3A_545, %broadcast_in_dim3A_547, %select_n3A_531 : vector<256x2048xi1>, vector<256x2048xf32>
    %reduce_max3A_549 = arith.constant dense<0xFF800000> : vector<256xf32>
    %reduce_max3A_550 = vector.multi_reduction <maximumf>, %select_n3A_548, %reduce_max3A_549 [1] : vector<256x2048xf32> to vector<256xf32>
    %broadcast_in_dim3A_551 = vector.shape_cast %reduce_max3A_550 : vector<256xf32> to vector<256x1xf32>
    %eq3A_552 = vector.broadcast %broadcast_in_dim3A_551 : vector<256x1xf32> to vector<256x2048xf32>
    %eq3A_553 = arith.cmpf oeq, %select_n3A_548, %eq3A_552 : vector<256x2048xf32>
    %jit3A_554 = arith.constant 1073741824 : i32
    %broadcast_in_dim3A_555 = vector.broadcast %jit3A_554 : i32 to vector<256x2048xi32>
    %select_n3A_556 = arith.select %eq3A_553, %concatenate3A_446, %broadcast_in_dim3A_555 : vector<256x2048xi1>, vector<256x2048xi32>
    %reduce_min3A_557 = arith.constant dense<2147483647> : vector<256xi32>
    %reduce_min3A_558 = vector.multi_reduction <minsi>, %select_n3A_556, %reduce_min3A_557 [1] : vector<256x2048xi32> to vector<256xi32>
    %broadcast_in_dim3A_559 = vector.shape_cast %reduce_min3A_558 : vector<256xi32> to vector<256x1xi32>
    %broadcast_in_dim3A_560 = vector.shape_cast %reduce_min3A_558 : vector<256xi32> to vector<256x1xi32>
    %eq3A_561 = vector.broadcast %broadcast_in_dim3A_560 : vector<256x1xi32> to vector<256x2048xi32>
    %eq3A_562 = arith.cmpi eq, %concatenate3A_446, %eq3A_561 : vector<256x2048xi32>
    %jit3A_563 = arith.constant -3.000000e+38 : f32
    %broadcast_in_dim3A_564 = vector.broadcast %jit3A_563 : f32 to vector<256x2048xf32>
    %select_n3A_565 = arith.select %eq3A_562, %broadcast_in_dim3A_564, %select_n3A_548 : vector<256x2048xi1>, vector<256x2048xf32>
    %reduce_max3A_566 = arith.constant dense<0xFF800000> : vector<256xf32>
    %reduce_max3A_567 = vector.multi_reduction <maximumf>, %select_n3A_565, %reduce_max3A_566 [1] : vector<256x2048xf32> to vector<256xf32>
    %broadcast_in_dim3A_568 = vector.shape_cast %reduce_max3A_567 : vector<256xf32> to vector<256x1xf32>
    %eq3A_569 = vector.broadcast %broadcast_in_dim3A_568 : vector<256x1xf32> to vector<256x2048xf32>
    %eq3A_570 = arith.cmpf oeq, %select_n3A_565, %eq3A_569 : vector<256x2048xf32>
    %jit3A_571 = arith.constant 1073741824 : i32
    %broadcast_in_dim3A_572 = vector.broadcast %jit3A_571 : i32 to vector<256x2048xi32>
    %select_n3A_573 = arith.select %eq3A_570, %concatenate3A_446, %broadcast_in_dim3A_572 : vector<256x2048xi1>, vector<256x2048xi32>
    %reduce_min3A_574 = arith.constant dense<2147483647> : vector<256xi32>
    %reduce_min3A_575 = vector.multi_reduction <minsi>, %select_n3A_573, %reduce_min3A_574 [1] : vector<256x2048xi32> to vector<256xi32>
    %broadcast_in_dim3A_576 = vector.shape_cast %reduce_min3A_575 : vector<256xi32> to vector<256x1xi32>
    %broadcast_in_dim3A_577 = vector.shape_cast %reduce_min3A_575 : vector<256xi32> to vector<256x1xi32>
    %eq3A_578 = vector.broadcast %broadcast_in_dim3A_577 : vector<256x1xi32> to vector<256x2048xi32>
    %eq3A_579 = arith.cmpi eq, %concatenate3A_446, %eq3A_578 : vector<256x2048xi32>
    %jit3A_580 = arith.constant -3.000000e+38 : f32
    %broadcast_in_dim3A_581 = vector.broadcast %jit3A_580 : f32 to vector<256x2048xf32>
    %select_n3A_582 = arith.select %eq3A_579, %broadcast_in_dim3A_581, %select_n3A_565 : vector<256x2048xi1>, vector<256x2048xf32>
    %reduce_max3A_583 = arith.constant dense<0xFF800000> : vector<256xf32>
    %reduce_max3A_584 = vector.multi_reduction <maximumf>, %select_n3A_582, %reduce_max3A_583 [1] : vector<256x2048xf32> to vector<256xf32>
    %broadcast_in_dim3A_585 = vector.shape_cast %reduce_max3A_584 : vector<256xf32> to vector<256x1xf32>
    %eq3A_586 = vector.broadcast %broadcast_in_dim3A_585 : vector<256x1xf32> to vector<256x2048xf32>
    %eq3A_587 = arith.cmpf oeq, %select_n3A_582, %eq3A_586 : vector<256x2048xf32>
    %jit3A_588 = arith.constant 1073741824 : i32
    %broadcast_in_dim3A_589 = vector.broadcast %jit3A_588 : i32 to vector<256x2048xi32>
    %select_n3A_590 = arith.select %eq3A_587, %concatenate3A_446, %broadcast_in_dim3A_589 : vector<256x2048xi1>, vector<256x2048xi32>
    %reduce_min3A_591 = arith.constant dense<2147483647> : vector<256xi32>
    %reduce_min3A_592 = vector.multi_reduction <minsi>, %select_n3A_590, %reduce_min3A_591 [1] : vector<256x2048xi32> to vector<256xi32>
    %broadcast_in_dim3A_593 = vector.shape_cast %reduce_min3A_592 : vector<256xi32> to vector<256x1xi32>
    %broadcast_in_dim3A_594 = vector.shape_cast %reduce_min3A_592 : vector<256xi32> to vector<256x1xi32>
    %eq3A_595 = vector.broadcast %broadcast_in_dim3A_594 : vector<256x1xi32> to vector<256x2048xi32>
    %eq3A_596 = arith.cmpi eq, %concatenate3A_446, %eq3A_595 : vector<256x2048xi32>
    %jit3A_597 = arith.constant -3.000000e+38 : f32
    %broadcast_in_dim3A_598 = vector.broadcast %jit3A_597 : f32 to vector<256x2048xf32>
    %select_n3A_599 = arith.select %eq3A_596, %broadcast_in_dim3A_598, %select_n3A_582 : vector<256x2048xi1>, vector<256x2048xf32>
    %reduce_max3A_600 = arith.constant dense<0xFF800000> : vector<256xf32>
    %reduce_max3A_601 = vector.multi_reduction <maximumf>, %select_n3A_599, %reduce_max3A_600 [1] : vector<256x2048xf32> to vector<256xf32>
    %broadcast_in_dim3A_602 = vector.shape_cast %reduce_max3A_601 : vector<256xf32> to vector<256x1xf32>
    %eq3A_603 = vector.broadcast %broadcast_in_dim3A_602 : vector<256x1xf32> to vector<256x2048xf32>
    %eq3A_604 = arith.cmpf oeq, %select_n3A_599, %eq3A_603 : vector<256x2048xf32>
    %jit3A_605 = arith.constant 1073741824 : i32
    %broadcast_in_dim3A_606 = vector.broadcast %jit3A_605 : i32 to vector<256x2048xi32>
    %select_n3A_607 = arith.select %eq3A_604, %concatenate3A_446, %broadcast_in_dim3A_606 : vector<256x2048xi1>, vector<256x2048xi32>
    %reduce_min3A_608 = arith.constant dense<2147483647> : vector<256xi32>
    %reduce_min3A_609 = vector.multi_reduction <minsi>, %select_n3A_607, %reduce_min3A_608 [1] : vector<256x2048xi32> to vector<256xi32>
    %broadcast_in_dim3A_610 = vector.shape_cast %reduce_min3A_609 : vector<256xi32> to vector<256x1xi32>
    %broadcast_in_dim3A_611 = vector.shape_cast %reduce_min3A_609 : vector<256xi32> to vector<256x1xi32>
    %eq3A_612 = vector.broadcast %broadcast_in_dim3A_611 : vector<256x1xi32> to vector<256x2048xi32>
    %eq3A_613 = arith.cmpi eq, %concatenate3A_446, %eq3A_612 : vector<256x2048xi32>
    %jit3A_614 = arith.constant -3.000000e+38 : f32
    %broadcast_in_dim3A_615 = vector.broadcast %jit3A_614 : f32 to vector<256x2048xf32>
    %select_n3A_616 = arith.select %eq3A_613, %broadcast_in_dim3A_615, %select_n3A_599 : vector<256x2048xi1>, vector<256x2048xf32>
    %reduce_max3A_617 = arith.constant dense<0xFF800000> : vector<256xf32>
    %reduce_max3A_618 = vector.multi_reduction <maximumf>, %select_n3A_616, %reduce_max3A_617 [1] : vector<256x2048xf32> to vector<256xf32>
    %broadcast_in_dim3A_619 = vector.shape_cast %reduce_max3A_618 : vector<256xf32> to vector<256x1xf32>
    %eq3A_620 = vector.broadcast %broadcast_in_dim3A_619 : vector<256x1xf32> to vector<256x2048xf32>
    %eq3A_621 = arith.cmpf oeq, %select_n3A_616, %eq3A_620 : vector<256x2048xf32>
    %jit3A_622 = arith.constant 1073741824 : i32
    %broadcast_in_dim3A_623 = vector.broadcast %jit3A_622 : i32 to vector<256x2048xi32>
    %select_n3A_624 = arith.select %eq3A_621, %concatenate3A_446, %broadcast_in_dim3A_623 : vector<256x2048xi1>, vector<256x2048xi32>
    %reduce_min3A_625 = arith.constant dense<2147483647> : vector<256xi32>
    %reduce_min3A_626 = vector.multi_reduction <minsi>, %select_n3A_624, %reduce_min3A_625 [1] : vector<256x2048xi32> to vector<256xi32>
    %broadcast_in_dim3A_627 = vector.shape_cast %reduce_min3A_626 : vector<256xi32> to vector<256x1xi32>
    %broadcast_in_dim3A_628 = vector.shape_cast %reduce_min3A_626 : vector<256xi32> to vector<256x1xi32>
    %eq3A_629 = vector.broadcast %broadcast_in_dim3A_628 : vector<256x1xi32> to vector<256x2048xi32>
    %eq3A_630 = arith.cmpi eq, %concatenate3A_446, %eq3A_629 : vector<256x2048xi32>
    %jit3A_631 = arith.constant -3.000000e+38 : f32
    %broadcast_in_dim3A_632 = vector.broadcast %jit3A_631 : f32 to vector<256x2048xf32>
    %select_n3A_633 = arith.select %eq3A_630, %broadcast_in_dim3A_632, %select_n3A_616 : vector<256x2048xi1>, vector<256x2048xf32>
    %reduce_max3A_634 = arith.constant dense<0xFF800000> : vector<256xf32>
    %reduce_max3A_635 = vector.multi_reduction <maximumf>, %select_n3A_633, %reduce_max3A_634 [1] : vector<256x2048xf32> to vector<256xf32>
    %broadcast_in_dim3A_636 = vector.shape_cast %reduce_max3A_635 : vector<256xf32> to vector<256x1xf32>
    %eq3A_637 = vector.broadcast %broadcast_in_dim3A_636 : vector<256x1xf32> to vector<256x2048xf32>
    %eq3A_638 = arith.cmpf oeq, %select_n3A_633, %eq3A_637 : vector<256x2048xf32>
    %jit3A_639 = arith.constant 1073741824 : i32
    %broadcast_in_dim3A_640 = vector.broadcast %jit3A_639 : i32 to vector<256x2048xi32>
    %select_n3A_641 = arith.select %eq3A_638, %concatenate3A_446, %broadcast_in_dim3A_640 : vector<256x2048xi1>, vector<256x2048xi32>
    %reduce_min3A_642 = arith.constant dense<2147483647> : vector<256xi32>
    %reduce_min3A_643 = vector.multi_reduction <minsi>, %select_n3A_641, %reduce_min3A_642 [1] : vector<256x2048xi32> to vector<256xi32>
    %broadcast_in_dim3A_644 = vector.shape_cast %reduce_min3A_643 : vector<256xi32> to vector<256x1xi32>
    %broadcast_in_dim3A_645 = vector.shape_cast %reduce_min3A_643 : vector<256xi32> to vector<256x1xi32>
    %eq3A_646 = vector.broadcast %broadcast_in_dim3A_645 : vector<256x1xi32> to vector<256x2048xi32>
    %eq3A_647 = arith.cmpi eq, %concatenate3A_446, %eq3A_646 : vector<256x2048xi32>
    %jit3A_648 = arith.constant -3.000000e+38 : f32
    %broadcast_in_dim3A_649 = vector.broadcast %jit3A_648 : f32 to vector<256x2048xf32>
    %select_n3A_650 = arith.select %eq3A_647, %broadcast_in_dim3A_649, %select_n3A_633 : vector<256x2048xi1>, vector<256x2048xf32>
    %reduce_max3A_651 = arith.constant dense<0xFF800000> : vector<256xf32>
    %reduce_max3A_652 = vector.multi_reduction <maximumf>, %select_n3A_650, %reduce_max3A_651 [1] : vector<256x2048xf32> to vector<256xf32>
    %broadcast_in_dim3A_653 = vector.shape_cast %reduce_max3A_652 : vector<256xf32> to vector<256x1xf32>
    %eq3A_654 = vector.broadcast %broadcast_in_dim3A_653 : vector<256x1xf32> to vector<256x2048xf32>
    %eq3A_655 = arith.cmpf oeq, %select_n3A_650, %eq3A_654 : vector<256x2048xf32>
    %jit3A_656 = arith.constant 1073741824 : i32
    %broadcast_in_dim3A_657 = vector.broadcast %jit3A_656 : i32 to vector<256x2048xi32>
    %select_n3A_658 = arith.select %eq3A_655, %concatenate3A_446, %broadcast_in_dim3A_657 : vector<256x2048xi1>, vector<256x2048xi32>
    %reduce_min3A_659 = arith.constant dense<2147483647> : vector<256xi32>
    %reduce_min3A_660 = vector.multi_reduction <minsi>, %select_n3A_658, %reduce_min3A_659 [1] : vector<256x2048xi32> to vector<256xi32>
    %broadcast_in_dim3A_661 = vector.shape_cast %reduce_min3A_660 : vector<256xi32> to vector<256x1xi32>
    %broadcast_in_dim3A_662 = vector.shape_cast %reduce_min3A_660 : vector<256xi32> to vector<256x1xi32>
    %eq3A_663 = vector.broadcast %broadcast_in_dim3A_662 : vector<256x1xi32> to vector<256x2048xi32>
    %eq3A_664 = arith.cmpi eq, %concatenate3A_446, %eq3A_663 : vector<256x2048xi32>
    %jit3A_665 = arith.constant -3.000000e+38 : f32
    %broadcast_in_dim3A_666 = vector.broadcast %jit3A_665 : f32 to vector<256x2048xf32>
    %select_n3A_667 = arith.select %eq3A_664, %broadcast_in_dim3A_666, %select_n3A_650 : vector<256x2048xi1>, vector<256x2048xf32>
    %reduce_max3A_668 = arith.constant dense<0xFF800000> : vector<256xf32>
    %reduce_max3A_669 = vector.multi_reduction <maximumf>, %select_n3A_667, %reduce_max3A_668 [1] : vector<256x2048xf32> to vector<256xf32>
    %broadcast_in_dim3A_670 = vector.shape_cast %reduce_max3A_669 : vector<256xf32> to vector<256x1xf32>
    %eq3A_671 = vector.broadcast %broadcast_in_dim3A_670 : vector<256x1xf32> to vector<256x2048xf32>
    %eq3A_672 = arith.cmpf oeq, %select_n3A_667, %eq3A_671 : vector<256x2048xf32>
    %jit3A_673 = arith.constant 1073741824 : i32
    %broadcast_in_dim3A_674 = vector.broadcast %jit3A_673 : i32 to vector<256x2048xi32>
    %select_n3A_675 = arith.select %eq3A_672, %concatenate3A_446, %broadcast_in_dim3A_674 : vector<256x2048xi1>, vector<256x2048xi32>
    %reduce_min3A_676 = arith.constant dense<2147483647> : vector<256xi32>
    %reduce_min3A_677 = vector.multi_reduction <minsi>, %select_n3A_675, %reduce_min3A_676 [1] : vector<256x2048xi32> to vector<256xi32>
    %broadcast_in_dim3A_678 = vector.shape_cast %reduce_min3A_677 : vector<256xi32> to vector<256x1xi32>
    %broadcast_in_dim3A_679 = vector.shape_cast %reduce_min3A_677 : vector<256xi32> to vector<256x1xi32>
    %eq3A_680 = vector.broadcast %broadcast_in_dim3A_679 : vector<256x1xi32> to vector<256x2048xi32>
    %eq3A_681 = arith.cmpi eq, %concatenate3A_446, %eq3A_680 : vector<256x2048xi32>
    %jit3A_682 = arith.constant -3.000000e+38 : f32
    %broadcast_in_dim3A_683 = vector.broadcast %jit3A_682 : f32 to vector<256x2048xf32>
    %select_n3A_684 = arith.select %eq3A_681, %broadcast_in_dim3A_683, %select_n3A_667 : vector<256x2048xi1>, vector<256x2048xf32>
    %reduce_max3A_685 = arith.constant dense<0xFF800000> : vector<256xf32>
    %reduce_max3A_686 = vector.multi_reduction <maximumf>, %select_n3A_684, %reduce_max3A_685 [1] : vector<256x2048xf32> to vector<256xf32>
    %broadcast_in_dim3A_687 = vector.shape_cast %reduce_max3A_686 : vector<256xf32> to vector<256x1xf32>
    %eq3A_688 = vector.broadcast %broadcast_in_dim3A_687 : vector<256x1xf32> to vector<256x2048xf32>
    %eq3A_689 = arith.cmpf oeq, %select_n3A_684, %eq3A_688 : vector<256x2048xf32>
    %jit3A_690 = arith.constant 1073741824 : i32
    %broadcast_in_dim3A_691 = vector.broadcast %jit3A_690 : i32 to vector<256x2048xi32>
    %select_n3A_692 = arith.select %eq3A_689, %concatenate3A_446, %broadcast_in_dim3A_691 : vector<256x2048xi1>, vector<256x2048xi32>
    %reduce_min3A_693 = arith.constant dense<2147483647> : vector<256xi32>
    %reduce_min3A_694 = vector.multi_reduction <minsi>, %select_n3A_692, %reduce_min3A_693 [1] : vector<256x2048xi32> to vector<256xi32>
    %broadcast_in_dim3A_695 = vector.shape_cast %reduce_min3A_694 : vector<256xi32> to vector<256x1xi32>
    %broadcast_in_dim3A_696 = vector.shape_cast %reduce_min3A_694 : vector<256xi32> to vector<256x1xi32>
    %eq3A_697 = vector.broadcast %broadcast_in_dim3A_696 : vector<256x1xi32> to vector<256x2048xi32>
    %eq3A_698 = arith.cmpi eq, %concatenate3A_446, %eq3A_697 : vector<256x2048xi32>
    %jit3A_699 = arith.constant -3.000000e+38 : f32
    %broadcast_in_dim3A_700 = vector.broadcast %jit3A_699 : f32 to vector<256x2048xf32>
    %select_n3A_701 = arith.select %eq3A_698, %broadcast_in_dim3A_700, %select_n3A_684 : vector<256x2048xi1>, vector<256x2048xf32>
    %reduce_max3A_702 = arith.constant dense<0xFF800000> : vector<256xf32>
    %reduce_max3A_703 = vector.multi_reduction <maximumf>, %select_n3A_701, %reduce_max3A_702 [1] : vector<256x2048xf32> to vector<256xf32>
    %broadcast_in_dim3A_704 = vector.shape_cast %reduce_max3A_703 : vector<256xf32> to vector<256x1xf32>
    %eq3A_705 = vector.broadcast %broadcast_in_dim3A_704 : vector<256x1xf32> to vector<256x2048xf32>
    %eq3A_706 = arith.cmpf oeq, %select_n3A_701, %eq3A_705 : vector<256x2048xf32>
    %jit3A_707 = arith.constant 1073741824 : i32
    %broadcast_in_dim3A_708 = vector.broadcast %jit3A_707 : i32 to vector<256x2048xi32>
    %select_n3A_709 = arith.select %eq3A_706, %concatenate3A_446, %broadcast_in_dim3A_708 : vector<256x2048xi1>, vector<256x2048xi32>
    %reduce_min3A_710 = arith.constant dense<2147483647> : vector<256xi32>
    %reduce_min3A_711 = vector.multi_reduction <minsi>, %select_n3A_709, %reduce_min3A_710 [1] : vector<256x2048xi32> to vector<256xi32>
    %broadcast_in_dim3A_712 = vector.shape_cast %reduce_min3A_711 : vector<256xi32> to vector<256x1xi32>
    %concatenate3A_713 = tpu.concatenate %broadcast_in_dim3A_457, %broadcast_in_dim3A_474, %broadcast_in_dim3A_491, %broadcast_in_dim3A_508, %broadcast_in_dim3A_525, %broadcast_in_dim3A_542, %broadcast_in_dim3A_559, %broadcast_in_dim3A_576, %broadcast_in_dim3A_593, %broadcast_in_dim3A_610, %broadcast_in_dim3A_627, %broadcast_in_dim3A_644, %broadcast_in_dim3A_661, %broadcast_in_dim3A_678, %broadcast_in_dim3A_695, %broadcast_in_dim3A_712 in 1 : vector<256x1xi32>, vector<256x1xi32>, vector<256x1xi32>, vector<256x1xi32>, vector<256x1xi32>, vector<256x1xi32>, vector<256x1xi32>, vector<256x1xi32>, vector<256x1xi32>, vector<256x1xi32>, vector<256x1xi32>, vector<256x1xi32>, vector<256x1xi32>, vector<256x1xi32>, vector<256x1xi32>, vector<256x1xi32> -> vector<256x16xi32>
    %swap3A = arith.constant 0 : index
    %swap3A_714 = arith.constant 0 : index
    %swap3A_715 = vector.load %arg3[%swap3A, %swap3A_714] : memref<256x16xi32, #tpu.memory_space<vmem>>, vector<256x16xi32>
    tpu.vector_store %arg3[%swap3A, %swap3A_714], %concatenate3A_713 {strides = array<i32>} : memref<256x16xi32, #tpu.memory_space<vmem>>, vector<256x16xi32>,
    return
  }
  func.func @transform_0(%arg0: i32) -> (i32, i32) {
    %c0_i32 = arith.constant 0 : i32
    %c0_i32_0 = arith.constant 0 : i32
    return %arg0, %c0_i32 : i32, i32
  }
  func.func @transform_1(%arg0: i32) -> (i32, i32) {
    %c0_i32 = arith.constant 0 : i32
    %c0_i32_0 = arith.constant 0 : i32
    %c0_i32_1 = arith.constant 0 : i32
    return %c0_i32, %c0_i32_0 : i32, i32
  }
  func.func @transform_2(%arg0: i32) -> (i32, i32) {
    %c0_i32 = arith.constant 0 : i32
    %c0_i32_0 = arith.constant 0 : i32
    return %arg0, %c0_i32 : i32, i32
  }
}

</mosaic_0001>

<sc_bundles>
// kernel: kernel.5.cloned.1.call-start
scs
__scs_entry_jumppad:
0x0: {  	(pc) =	sbr.rel $0x88, $3  }
0x1: {  	(tag) =	ssettag $0x0;
	lr =	simm.s32 $0x1  }
0x2: {  	[smem:$0x3F95] =	sst lr;
	_ =	strace $0xD0000000  }
0x3: {  	_ = 	snop  }
0x4: {  	_ = 	snop  }
0x5: {  	_ = 	snop  }
0x6: {  	_ = 	snop  }
0x7: {  	_ = 	snop  }
__scs_overlays_trampoline_lowered:
0x8: {  	[smem:$0x3FA4] =	sst s0  }
0x9: {  	[smem:$0x3FA5] =	sst s1  }
0xa: {  	[smem:$0x3FA6] =	sst s2  }
0xb: {  	[smem:$0x3FA7] =	sst s3  }
0xc: {  	[smem:$0x3FA8] =	sst s4  }
0xd: {  	[smem:$0x3FA9] =	sst s5  }
0xe: {  	[smem:$0x3FAA] =	sst s6  }
0xf: {  	[smem:$0x3FAB] =	sst s7  }
0x10: {  	[smem:$0x3FAC] =	sst s8  }
0x11: {  	[smem:$0x3FAD] =	sst s9;
	s0 =	simm.s32 @!p0 $0x0  }
0x12: {  	s1 =	sld [smem:$0x3F93];
	s0 =	simm.s32 @p0 $0x1  }
0x13: {  	[smem:$0x3FAE] =	sst s0;
	s0 =	simm.s32 @!p1 $0x0  }
0x14: {  	s2 =	sld [smem:$0x3F92];
	s0 =	simm.s32 @p1 $0x1  }
0x15: {  	[smem:$0x3FAF] =	sst s0;
	s0 =	simm.s32 @!p2 $0x0  }
0x16: {  	s3 =	sld [smem:$0x3FDB];
	s0 =	simm.s32 @p2 $0x1  }
0x17: {  	s4 =	simm.s32 $0x1BF5;
	[smem:$0x3FB1] =	sst s0  }
0x18: {  	s0 =	sld [smem:$0x3F94];
	_ =	swait.ge [sflag:s4], $0x0  }
0x19: {  	s7 =	sld [smem:$0x3F95]  }
0x1a: {  	s8 =	sadd.s32 $0xFFFFE003, lr  }
0x1b: {  	s9 =	sadd.s32 $0xFFFFFEF7, lr;
	s5 =	simm.s32 $0xFFFFFFFF;
	p2 =	slt.u32 s8, $0xFFFFF086  }
0x1c: {  	p1 =	slt.u32 s9, $0xF7A;
	s5 =	simm.s32 @!p2 $0x0  }
0x1d: {  	s5 =	simm.s32 @p1 $0x1;
	p0 =	seq.s32 s7, s2  }
0x1e: {  	s7 =	smul.u32 @!p0 $0xF7A, s2;
	p2 =	seq.s32 @!p0 s5, $0x0  }
0x1f: {  	s9 =	smul.u32 $0xF7A, s1;
	s8 =	simm.s32 @!p0 $0x1BF5;
	p2 =	por !p2, p0  }
0x20: {  	[sflag:s8] =	ssyncset.s32 @!p0 $0xFFFFF086;
	s6 =	sadd.s32 @!p0 s3, s7;
	s7 =	simm.s32 @!p0 $0x108  }
0x21: {  	s3 =	sadd.s32 s3, s9;
	s6 =	sadd.s32 @!p0 $0x88, s6;
	s7 =	simm.s32 @p2 $0x1082  }
0x22: {  	[simem:s7], [sflag:s8] =	dma.local @!p0 [hbm:s6], $0xF7A  }
0x23: {  	s9 =	sor.u32 $0xD0000000, s2;
	s6 =	simm.s32 $0x108;
	_ =	swait.ge @!p0 [sflag:s8], $0x0  }
0x24: {  	s3 =	sadd.s32 $0x88, s3;
	s6 =	simm.s32 @!p1 $0x1082;
	[sflag:s4] =	ssyncset.s32 $0xFFFFF086  }
0x25: {  	[simem:s6], [sflag:s4] =	dma.local [hbm:s3], $0xF7A  }
0x26: {  	[smem:$0x3F95] =	sst s1;
	(tag) =	ssettag s2;
	_ =	strace s9  }
0x27: {  	s1 =	sld [smem:$0x3FA5]  }
0x28: {  	s2 =	sld [smem:$0x3FA6]  }
0x29: {  	s4 =	sld [smem:$0x3FA8]  }
0x2a: {  	p0 =	seq.s32 s5, $0x0;
	s5 =	sld [smem:$0x3FA9]  }
0x2b: {  	s6 =	sld [smem:$0x3FAA]  }
0x2c: {  	s7 =	sld [smem:$0x3FAB]  }
0x2d: {  	s3 =	simm.s32 $0x108;
	s8 =	sld [smem:$0x3FAC]  }
0x2e: {  	s3 =	simm.s32 @!p0 $0x1082;
	s9 =	sld [smem:$0x3FAD]  }
0x2f: {  	lr =	sadd.s32 s0, s3;
	s0 =	sld [smem:$0x3FA4]  }
0x30: {  	s3 =	sld [smem:$0x3FA7]  }
0x31: {  	[smem:$0x3FB0] =	sst s10  }
0x32: {  	s10 =	sld [smem:$0x3FAE];
	_ =	sdelay $0x3  }
0x33: {  	p0 =	seq.s32 s10, $0x1;
	s10 =	sld [smem:$0x3FB0];
	_ =	sdelay $0x3  }
0x34: {  	[smem:$0x3FB0] =	sst s10  }
0x35: {  	s10 =	sld [smem:$0x3FAF];
	_ =	sdelay $0x3  }
0x36: {  	p1 =	seq.s32 s10, $0x1;
	s10 =	sld [smem:$0x3FB0];
	_ =	sdelay $0x3  }
0x37: {  	[smem:$0x3FB0] =	sst s10  }
0x38: {  	s10 =	sld [smem:$0x3FB1]  }
0x39: {  	_ = 	snop;
	(pc) =	sbr.ind lr, $3  }
0x3a: {  	_ = 	snop  }
0x3b: {  	_ = 	snop  }
0x3c: {  	p2 =	seq.s32 s10, $0x1;
	s10 =	sld [smem:$0x3FB0]  }
0x3d: {  	_ =	shalt  }
0x3e: {  	_ =	shalt  }
0x3f: {  	_ =	shalt  }
0x40: {  	_ =	shalt  }
0x41: {  	_ =	shalt  }
0x42: {  	_ =	shalt  }
0x43: {  	_ =	shalt  }
0x44: {  	_ =	shalt  }
0x45: {  	_ =	shalt  }
0x46: {  	_ =	shalt  }
0x47: {  	_ =	shalt  }
0x48: {  	_ =	shalt  }
0x49: {  	_ =	shalt  }
0x4a: {  	_ =	shalt  }
0x4b: {  	_ =	shalt  }
0x4c: {  	_ =	shalt  }
0x4d: {  	_ =	shalt  }
0x4e: {  	_ =	shalt  }
0x4f: {  	_ =	shalt  }
0x50: {  	_ =	shalt  }
0x51: {  	_ =	shalt  }
0x52: {  	_ =	shalt  }
0x53: {  	_ =	shalt  }
0x54: {  	_ =	shalt  }
0x55: {  	_ =	shalt  }
0x56: {  	_ =	shalt  }
0x57: {  	_ =	shalt  }
0x58: {  	_ =	shalt  }
0x59: {  	_ =	shalt  }
0x5a: {  	_ =	shalt  }
0x5b: {  	_ =	shalt  }
0x5c: {  	_ =	shalt  }
0x5d: {  	_ =	shalt  }
0x5e: {  	_ =	shalt  }
0x5f: {  	_ =	shalt  }
0x60: {  	_ =	shalt  }
0x61: {  	_ =	shalt  }
0x62: {  	_ =	shalt  }
0x63: {  	_ =	shalt  }
0x64: {  	_ =	shalt  }
0x65: {  	_ =	shalt  }
0x66: {  	_ =	shalt  }
0x67: {  	_ =	shalt  }
0x68: {  	_ =	shalt  }
0x69: {  	_ =	shalt  }
0x6a: {  	_ =	shalt  }
0x6b: {  	_ =	shalt  }
0x6c: {  	_ =	shalt  }
0x6d: {  	_ =	shalt  }
0x6e: {  	_ =	shalt  }
0x6f: {  	_ =	shalt  }
0x70: {  	_ =	shalt  }
0x71: {  	_ =	shalt  }
0x72: {  	_ =	shalt  }
0x73: {  	_ =	shalt  }
0x74: {  	_ =	shalt  }
0x75: {  	_ =	shalt  }
0x76: {  	_ =	shalt  }
0x77: {  	_ =	shalt  }
0x78: {  	_ =	shalt  }
0x79: {  	_ =	shalt  }
0x7a: {  	_ =	shalt  }
0x7b: {  	_ =	shalt  }
0x7c: {  	_ =	shalt  }
0x7d: {  	_ =	shalt  }
0x7e: {  	_ =	shalt  }
0x7f: {  	_ =	shalt  }
0x80: {  	_ =	shalt  }
0x81: {  	_ =	shalt  }
0x82: {  	_ =	shalt  }
0x83: {  	_ =	shalt  }
0x84: {  	_ =	shalt  }
0x85: {  	_ =	shalt  }
0x86: {  	_ =	shalt  }
0x87: {  	_ =	shalt  }
.Lfunc_end0:
.L_simem_size_0:
called_computation_lowered:
.L_overlay_start_0:
0x88: {  	s2 =	sld [smem:$0x3FD9]  }
0x89: {  	s3 =	sld [smem:$0x3FFE];
	_ =	sdelay $0x1  }
0x8a: {  	s1 =	srdreg.scid  }
0x8b: {  	s0 =	sand.u32 $0x1, s1  }
0x8c: {  	s17 =	sshll.u32 s0, $0xA;
	s2 =	sadd.s32 s3, s2  }
0x8d: {  	s2 =	sadd.s32 s2, s17  }
0x8e: {  	[smem:$0x3FBC] =	sst s2  }
0x8f: {  	_ = 	snop  }
0x90: {  	s2 =	sld [smem:$0x3FC8]  }
0x91: {  	s18 =	sld [smem:$0x3FD0];
	(tm) =	ssettm $0x1  }
0x92: {  	s4 =	sld [smem:$0x3FFB];
	_ =	sdelay $0x3  }
0x93: {  	_ =	strace s4  }
0x94: {  	s4 =	sld [smem:$0x3FFC];
	_ =	sdelay $0x3  }
0x95: {  	_ =	strace s4  }
0x96: {  	s4 =	sld [smem:$0x3FFD];
	_ =	sdelay $0x3  }
0x97: {  	_ =	strace s4  }
0x98: {  	_ =	strace $0x8FFFFFFF  }
0x99: {  	s19 =	sld [smem:$0x3FDB];
	_ =	sdelay $0x1  }
0x9a: {  	s5 =	simm.s32 $_scs_section_size  }
0x9b: {  	s6 =	simm.s32 $_size__tile_overlayer_lowered;
	s7 =	simm.s32 $_tile_overlayer_lowered  }
0x9c: {  	s22 =	simm.s32 $0x1BFF;
	s21 =	sshll.u32 s7, $0x1;
	s4 =	sadd.s32 s5, s19  }
0x9d: {  	s8 =	simm.s32 $0x0;
	s20 =	sshll.u32 s6, $0x1;
	s6 =	sadd.s32 s21, s4  }
0x9e: {  	[timem:s8], [sflag:s22] =	dma.local [hbm:s6], s20  }
0x9f: {  	_ =	swait.ge [sflag:s22], s20  }
0xa0: {  	s5 =	ssub.s32 $0x0, s20;
	[sflag:s22] =	ssyncset.done $0x0  }
0xa1: {  	[sflag:s22] =	ssyncadd.s32 s5;
	_ =	sdelay $0x1  }
0xa2: {  	s23 =	simm.s32 $0x1B8B  }
0xa3: {  	_ =	swait.ge [sflag:s23], $0x1  }
0xa4: {  	[sflag:s23] =	ssyncset.done $0x0  }
0xa5: {  	s25 =	simm.s32 $0x1B8E;
	s24 =	sld [smem:$0x3FFE];
	[sflag:s23] =	ssyncadd.s32 $0xFFFFFFFF  }
0xa6: {  	s26 =	simm.s32 $execute0_lowered;
	[smem:$0x3FD2] =	sst s25  }
0xa7: {  	s6 =	sshll.u32 s26, $0x1;
	_ =	strace $0x80000046;
	[dreg:$0x1] =	wrdreg $0xFFFFFFFF  }
0xa8: {  	s28 =	simm.s32 $_size_execute0_lowered;
	s4 =	sadd.s32 s4, s6;
	[dreg:$0x0] =	wrdreg $0x0  }
0xa9: {  	s6 =	sshll.u32 s28, $0x1;
	[dreg:$0x2] =	wrdreg s4  }
0xaa: {  	[dreg:$0x3] =	wrdreg s6  }
0xab: {  	[dreg:$0x4] =	wrdreg $0xC0  }
0xac: {  	_ =	task [dreg:s8], $0x5FFFF  }
0xad: {  	[dreg:$0x1] =	wrdreg $0xFFFFFFFF  }
0xae: {  	[dreg:$0x0] =	wrdreg $0x60  }
0xaf: {  	[dreg:$0x2] =	wrdreg s24  }
0xb0: {  	[dreg:$0x3] =	wrdreg s2  }
0xb1: {  	[dreg:$0x4] =	wrdreg s18  }
0xb2: {  	[dreg:$0x5] =	wrdreg $0x9  }
0xb3: {  	_ =	task.clear_ibuf [dreg:s8], $0x6FFFF;
	_ =	strace $0x90000046  }
0xb4: {  	s29 =	simm.s32 $0x9;
	_ =	strace $0x80000048  }
0xb5: {  	_ =	swait.ge [sflag:s29], $0x1  }
0xb6: {  	[sflag:s29] =	ssyncadd.s32 $0xFFFFFFFF  }
0xb7: {  	_ =	strace $0x90000048  }
0xb8: {  	_ =	sfence  }
0xb9: {  	s30 =	sld [smem:$0x0];
	_ =	sdelay $0x2  }
0xba: {  	s31 =	sshll.u32 s1, $0xD;
	s1 =	sshrl.u32 s1, $0x2  }
0xbb: {  	s3 =	sand.u32 $0x4000, s31;
	s1 =	sadd.s32 s1, s30  }
0xbc: {  	s0 =	sor.u32 s3, s0;
	s1 =	sshll.u32 s1, $0x11  }
0xbd: {  	s0 =	sor.u32 s1, s0  }
0xbe: {  	s0 =	sadd.s32 $0x8F2B, s0  }
0xbf: {  	[sflag:s0] =	ssyncadd.remote.s32 $0x1  }
0xc0: {  	_ =	sfence.sel $0xFFFF  }
0xc1: {  	[dreg:$0x0] =	wrdreg $0xFFFFFFFF;
	(pc) =	sbr.abs _section_cstart, $3  }
0xc2: {  	[dreg:$0x1] =	wrdreg $0xFFFFFFFF  }
0xc3: {  	_ =	task.clear_ibuf [dreg:s8], $0x2FFFF;
	_ =	strace $0x9FFFFFFF  }
0xc4: {  	(tm) =	ssettm $0x7FFFFFFF  }
0xc5: {  	_ =	shalt  }
tec
execute0_lowered:
.L_overlay_start_1:
0x0: {  	(tag) =	ssettag $0x1  }
0x1: {  	s0 =	rddreg [dreg:$0x0];
	s12 =	stileid.u32  }
0x2: {  	s1 =	srdreg.scid;
	s4 =	simm.s32 $0x0;
	s15 =	simm.s32 $0x2  }
0x3: {  	s16 =	simm.s32 $0x80;
	s18 =	simm.s32 $0x14000;
	s19 =	simm.s32 $0x16880  }
0x4: {  	s28 =	simm.s32 $0x1;
	s29 =	simm.s32 $0x1B880;
	s30 =	simm.s32 $0x1B980  }
0x5: {  	s2 =	sshll.u32 s12, $0x1;
	s1 =	sand.u32 $0x1, s1;
	s3 =	sshrl.u32 s12, $0x3  }
0x6: {  	[smem:$0x7FF] =	sst s4;
	s6 =	sadd.s32 $0x4F800, s0;
	s12 =	sand.u32 $0x7, s12  }
0x7: {  	s5 =	sshll.u32 s3, $0x7;
	s22 =	sshll.u32 s3, $0x4;
	s3 =	smul.u32 $0x2710, s3  }
0x8: {  	s2 =	sand.u32 $0xE, s2;
	_ =	strace $0x80000047;
	s13 =	smul.u32 $0x500, s12  }
0x9: {  	s23 =	ssub.s32 $0x2, s1;
	s2 =	sor.u32 s1, s2;
	s1 =	smul.u32 $0x280, s1  }
0xa: {  	s11 =	sadd.s32 s22, s0;
	s24 =	sshrl.u32 s23, $0x1;
	s7 =	smul.u32 $0x500, s2  }
0xb: {  	s22 =	simm.s32 $0x17080;
	s8 =	smul.u32 $0x2800, s2;
	s26 =	sadd.s32 $0x2000, s11  }
0xc: {  	[dreg:$0x5] =	wrdreg s26;
	s14 =	sadd.s32 s1, s13;
	s26 =	simm.s32 $0x1B900  }
0xd: {  	s1 =	simm.s32 $0x0;
	s7 =	sor.u32 s5, s7;
	s9 =	sadd.s32 s8, s0  }
0xe: {  	s8 =	sadd.s32 $0x2AA00, s0;
	s7 =	sshrl.u32 s7, $0x3;
	s25 =	sadd.s32 $0x2A00, s9  }
0xf: {  	s10 =	sadd.s32 s7, s0;
	s7 =	smul.u32 $0x280, s2;
	s0 =	ssub.s32 s23, s24  }
0x10: {  	[dreg:$0x4] =	wrdreg s25;
	s23 =	simm.s32 $0x1B080;
	s31 =	sadd.s32 $0x1600, s10  }
0x11: {  	s24 =	simm.s32 $0x1B480;
	s0 =	smax.u32 s0, $0x1;
	[dreg:$0x6] =	wrdreg s31  }
0x12: {  	v0 =	vmov s3;
	s25 =	simm.s32 $0x16F80;
	s12 =	sadd.s32 s3, s7;
	[dreg:$0x7] =	wrdreg s0  }
.LBB2_1:
0x13: {  	[dreg:$0x8] =	wrdreg s1  }
0x14: {  	s0 =	rddreg [dreg:$0x4]  }
0x15: {  	[tilespmem:s4], [sflag:$0x2] =	stream.linear.gather [hbm4b:s0+s4], $0x14000, $0x38;
	[tilespmem:$0x1BA00] =	vst v63  }
0x16: {  	_ =	swait.ge [sflag:s15], $0x14000  }
0x17: {  	[sflag:s15] =	ssyncset.done $0x0  }
0x18: {  	s17 =	simm.s32 $0x100;
	s13 =	rddreg [dreg:$0x5];
	[sflag:s15] =	ssyncadd.s32 $0xFFFEC000  }
0x19: {  	[tilespmem:s18], [sflag:$0x2] =	stream.strided.gather [hbm4b:s13+s16], $0x2800, s17, s16, $0x38;
	[tilespmem:$0x1BA00] =	vst v63  }
0x1a: {  	_ =	swait.ge [sflag:s15], $0x2800  }
0x1b: {  	[sflag:s15] =	ssyncset.done $0x0  }
0x1c: {  	s20 =	rddreg [dreg:$0x6];
	[sflag:s15] =	ssyncadd.s32 $0xFFFFD800  }
0x1d: {  	[tilespmem:s19], [sflag:$0x2] =	stream.strided.gather [hbm4b:s20+s16], $0x280, s17, s16, $0x38;
	[tilespmem:$0x1BA00] =	vst v63  }
0x1e: {  	_ =	swait.ge [sflag:s15], $0x280  }
0x1f: {  	[sflag:s15] =	ssyncset.done $0x0  }
0x20: {  	[sflag:s15] =	ssyncadd.s32 $0xFFFFFD80  }
0x21: {  	s31 =	simm.s32 $0x16B80;
	s21 =	rddreg [dreg:$0x2]  }
0x22: {  	[tilespmem:s31], [sflag:$0x2] =	stream.linear.gather [hbm4b:s21+s4], $0x280, $0x38;
	[tilespmem:$0x1BA00] =	vst v63  }
0x23: {  	_ =	swait.ge [sflag:s15], $0x280  }
0x24: {  	s1 =	simm.s32 $0x0;
	[sflag:s15] =	ssyncset.done $0x0  }
0x25: {  	s3 =	simm.s32 $0x0;
	s0 =	simm.s32 $0x0;
	[sflag:s15] =	ssyncadd.s32 $0xFFFFFD80  }
.LBB2_2:
0x26: {  	s2 =	sshll.u32 s3, $0xA  }
0x27: {  	s2 =	sand.u32 $0x3FFFFC00, s2  }
0x28: {  	v1 =	vld [tilespmem:s2+$0x0];
	_ =	sdelay $0x4  }
0x29: {  	vm0 =	vgt.s32 v1, $0x0  }
0x2a: {  	v1 =	vnsel vm0, $0x0, v1  }
0x2b: {  	v1 =	vmin.u32 v1, $0x270F  }
0x2c: {  	v1 =	vadd.s32 v0, v1  }
0x2d: {  	[tilespmem:$0x17000] =	vst v1  }
0x2e: {  	v1 =	vld [tilespmem:s2+$0x80];
	_ =	sdelay $0x4  }
0x2f: {  	vm5 =	vgt.s32 v1, $0x0  }
0x30: {  	v1 =	vnsel vm5, $0x0, v1  }
0x31: {  	v1 =	vmin.u32 v1, $0x270F  }
0x32: {  	v1 =	vadd.s32 v0, v1  }
0x33: {  	[tilespmem:$0x17010] =	vst v1  }
0x34: {  	v1 =	vld [tilespmem:s2+$0x100];
	_ =	sdelay $0x4  }
0x35: {  	vm6 =	vgt.s32 v1, $0x0  }
0x36: {  	v1 =	vnsel vm6, $0x0, v1  }
0x37: {  	v1 =	vmin.u32 v1, $0x270F  }
0x38: {  	v1 =	vadd.s32 v0, v1  }
0x39: {  	[tilespmem:$0x17020] =	vst v1  }
0x3a: {  	v1 =	vld [tilespmem:s2+$0x180];
	_ =	sdelay $0x4  }
0x3b: {  	vm7 =	vgt.s32 v1, $0x0  }
0x3c: {  	v1 =	vnsel vm7, $0x0, v1  }
0x3d: {  	v1 =	vmin.u32 v1, $0x270F  }
0x3e: {  	v1 =	vadd.s32 v0, v1  }
0x3f: {  	[tilespmem:$0x17030] =	vst v1  }
0x40: {  	v1 =	vld [tilespmem:s2+$0x200];
	_ =	sdelay $0x4  }
0x41: {  	vm8 =	vgt.s32 v1, $0x0  }
0x42: {  	v1 =	vnsel vm8, $0x0, v1  }
0x43: {  	v1 =	vmin.u32 v1, $0x270F  }
0x44: {  	v1 =	vadd.s32 v0, v1  }
0x45: {  	[tilespmem:$0x17040] =	vst v1  }
0x46: {  	v1 =	vld [tilespmem:s2+$0x280];
	_ =	sdelay $0x4  }
0x47: {  	vm9 =	vgt.s32 v1, $0x0  }
0x48: {  	v1 =	vnsel vm9, $0x0, v1  }
0x49: {  	v1 =	vmin.u32 v1, $0x270F  }
0x4a: {  	v1 =	vadd.s32 v0, v1  }
0x4b: {  	[tilespmem:$0x17050] =	vst v1  }
0x4c: {  	v1 =	vld [tilespmem:s2+$0x300];
	_ =	sdelay $0x4  }
0x4d: {  	vm10 =	vgt.s32 v1, $0x0  }
0x4e: {  	v1 =	vnsel vm10, $0x0, v1  }
0x4f: {  	v1 =	vmin.u32 v1, $0x270F  }
0x50: {  	v1 =	vadd.s32 v0, v1  }
0x51: {  	[tilespmem:$0x17060] =	vst v1  }
0x52: {  	v1 =	vld [tilespmem:s2+$0x380];
	_ =	sdelay $0x4  }
0x53: {  	vm11 =	vgt.s32 v1, $0x0  }
0x54: {  	v1 =	vnsel vm11, $0x0, v1  }
0x55: {  	v1 =	vmin.u32 v1, $0x270F  }
0x56: {  	s21 =	sshll.u32 s3, $0x3;
	v1 =	vadd.s32 v0, v1  }
0x57: {  	s9 =	simm.s32 $0x17000;
	s10 =	sadd.s32 s21, s12;
	[tilespmem:$0x17070] =	vst v1  }
0x58: {  	[tilespmem:s22], [sflag:$0x1] =	stream.indirect.gather [hbm4b:s6+s16], $0x80, s9, s16, $0xb8;
	[tilespmem:$0x1BA00] =	vst v63  }
0x59: {  	s9 =	smin.u32 s10, $0x4E18  }
0x5a: {  	s9 =	sshll.u32 s9, $0x4  }
0x5b: {  	s10 =	simm.s32 $0x0;
	s9 =	sadd.s32 s6, s9  }
0x5c: {  	[tilespmem:s23], [sflag:$0x2] =	stream.linear.gather [hbm4b:s9+s10], $0x400, $0x38;
	[tilespmem:$0x1BA00] =	vst v63  }
0x5d: {  	_ =	swait.ge [sflag:s15], $0x400  }
0x5e: {  	s20 =	sadd.s32 s7, s21;
	[sflag:s15] =	ssyncset.done $0x0  }
0x5f: {  	s11 =	smin.u32 s20, $0x2708;
	[sflag:s15] =	ssyncadd.s32 $0xFFFFFC00  }
0x60: {  	s9 =	sshll.u32 s11, $0x4;
	s11 =	rddreg [dreg:$0x1]  }
0x61: {  	s9 =	sadd.s32 s11, s9  }
0x62: {  	[tilespmem:s24], [sflag:$0x2] =	stream.linear.gather [hbm4b:s9+s10], $0x400, $0x38;
	[tilespmem:$0x1BA00] =	vst v63  }
0x63: {  	_ =	swait.ge [sflag:s15], $0x400  }
0x64: {  	[sflag:s15] =	ssyncset.done $0x0  }
0x65: {  	s17 =	sand.u32 $0x78, s21;
	s13 =	sand.u32 $0x7F80, s20;
	[sflag:s15] =	ssyncadd.s32 $0xFFFFFC00  }
0x66: {  	v1 =	vld [tilespmem:s21+$0x16880];
	s21 =	sor.u32 s17, s13  }
0x67: {  	v2 =	vld [tilespmem:s21+$0x14000];
	_ =	sdelay $0x4  }
0x68: {  	v1 =	vadd.f32 v2, v1;
	_ =	sdelay $0x1  }
0x69: {  	v2 =	vmul.f32 $2.000000030e-01, v1  }
0x6a: {  	vm12 =	vgt.f32 v1, $0.0e+00  }
0x6b: {  	v1 =	vsel vm12, v1, v2  }
0x6c: {  	[tilespmem:$0x16F80] =	vst v1  }
0x6d: {  	v1 =	vld [tilespmem:s1+$0x0];
	_ =	sdelay $0x4  }
0x6e: {  	s9 =	sadd.s32 $0x0, s0;
	vm13 =	vgt.s32 v1, $0x0  }
0x6f: {  	v3 =	vmov s9;
	v2 =	vnsel vm13, $0x0, v1  }
0x70: {  	v2 =	vmin.u32 v2, $0x270F;
	_ =	sdelay $0x3  }
0x71: {  	v3 =	vld.idx.msk [tilespmem:v3+s19+$0x0], $0xffff  }
0x72: {  	v2 =	vld.idx.msk [tilespmem:v2+s18+$0x0], $0xffff  }
0x73: {  	v4 =	vmov s10;
	_ =	sdelay $0x3  }
0x74: {  	v2 =	vadd.f32 v3, v2  }
0x75: {  	v3 =	vld.idx.msk [tilespmem:v4+s25+$0x0], $0xffff  }
0x76: {  	s9 =	sadd.s32 s0, s14;
	v5 =	vmul.f32 $2.000000030e-01, v2  }
0x77: {  	s11 =	sadd.s32 $0x0, s9;
	vm14 =	vgt.f32 v2, $0.0e+00  }
0x78: {  	vm15 =	veq.s32 v1, s11;
	v2 =	vsel vm14, v2, v5  }
0x79: {  	v1 =	vsel vm15, $0xF149F2CA, v2  }
0x7a: {  	v2 =	vmax.f32 v1, v3  }
0x7b: {  	(xrf0) =	vmax.scan.msk.f32 $0xffff, v2;
	_ =	sdelay $0x5  }
0x7c: {  	v2, _, _ =	vpop (xrf0)  }
0x7d: {  	v2 =	vbroadcast v2, $0xF;
	_ =	sdelay $0x1  }
0x7e: {  	v1 =	vsub.f32 v1, v2;
	_ =	sdelay $0x1  }
0x7f: {  	v1 =	vmul.f32 $1.442695020e+00, v1;
	_ =	sdelay $0x1  }
0x80: {  	v2 =	vsub.f32 v3, v2;
	(erf) = vpow2.f32 v1;
	_ =	sdelay $0x1  }
0x81: {  	v1 =	vmul.f32 $1.442695020e+00, v2;
	_ =	sdelay $0x1  }
0x82: {  	(erf) = vpow2.f32 v1;
	_ =	sdelay $0x4  }
0x83: {  	v1 =	vpop (erf)  }
0x84: {  	v1 =	vsel vm15, $0x0, v1  }
0x85: {  	(xrf2) =	vadd.scan.msk.f32 $0xffff, v1;
	_ =	sdelay $0x1  }
0x86: {  	v2 =	vpop (erf)  }
0x87: {  	(xrf0) =	vmax.scan.msk.f32 $0xffff, v2;
	_ =	sdelay $0x5  }
0x88: {  	v3, _, _ =	vpop (xrf0)  }
0x89: {  	(v2sf) =	vpush v3, $0xF;
	v63, _, _ =	vpop (xrf2)  }
0x8a: {  	(v2sf) =	vpush v63, $0xF;
	_ =	sdelay $0xd  }
0x8b: {  	s13 =	spop (v2sf)  }
0x8c: {  	s21 =	spop (v2sf)  }
0x8d: {  	s2 =	sadd.f32 s21, s13;
	_ =	sdelay $0x1  }
0x8e: {  	s2 =	sadd.f32 $1.000000020e-16, s2;
	_ =	sdelay $0x1  }
0x8f: {  	v3 =	vmov s2  }
0x90: {  	(erf) = vrcp.f32 v3;
	_ =	sdelay $0x8  }
0x91: {  	v3 =	vpop (erf)  }
0x92: {  	v1 =	vmul.f32 v3, v1  }
0x93: {  	s10 =	simm.s32 $0x1B880;
	v2 =	vmul.f32 v3, v2  }
0x94: {  	[tilespmem:s10+$0x0] =	vst v1  }
0x95: {  	s13 =	sadd.s32 $0x80, s1;
	[tilespmem:v4+s26+$0x0] =	vst.idx.msk $0x1, v2  }
0x96: {  	v1 =	vld [tilespmem:s13+$0x0]  }
0x97: {  	s31 =	simm.s32 $0x2;
	s11 =	simm.s32 $0x1  }
.LBB2_3:
0x98: {  	p0 =	sne.s32 s31, $0x7;
	_ =	sdelay $0x2  }
0x99: {  	s2 =	sadd.s32 s11, s0;
	vm0 =	vgt.s32 v1, $0x0  }
0x9a: {  	v3 =	vmov s2;
	v2 =	vnsel vm0, $0x0, v1  }
0x9b: {  	v2 =	vmin.u32 v2, $0x270F;
	_ =	sdelay $0x3  }
0x9c: {  	v3 =	vld.idx.msk [tilespmem:v3+s19+$0x0], $0xffff  }
0x9d: {  	v2 =	vld.idx.msk [tilespmem:v2+s18+$0x0], $0xffff  }
0x9e: {  	v4 =	vmov s11;
	_ =	sdelay $0x4  }
0x9f: {  	v2 =	vadd.f32 v3, v2;
	v3 =	vld.idx.msk [tilespmem:v4+s25+$0x0], $0xffff;
	_ =	sdelay $0x1  }
0xa0: {  	v5 =	vmul.f32 $2.000000030e-01, v2  }
0xa1: {  	s2 =	sadd.s32 s11, s9;
	s11 =	smov.u32 s31;
	vm0 =	vgt.f32 v2, $0.0e+00  }
0xa2: {  	v2 =	vsel vm0, v2, v5;
	vm0 =	veq.s32 v1, s2  }
0xa3: {  	v1 =	vsel vm0, $0xF149F2CA, v2  }
0xa4: {  	v2 =	vmax.f32 v1, v3  }
0xa5: {  	(xrf0) =	vmax.scan.msk.f32 $0xffff, v2;
	_ =	sdelay $0x5  }
0xa6: {  	v2, _, _ =	vpop (xrf0)  }
0xa7: {  	v2 =	vbroadcast v2, $0xF;
	_ =	sdelay $0x1  }
0xa8: {  	v1 =	vsub.f32 v1, v2;
	_ =	sdelay $0x1  }
0xa9: {  	v1 =	vmul.f32 $1.442695020e+00, v1;
	_ =	sdelay $0x1  }
0xaa: {  	v2 =	vsub.f32 v3, v2;
	(erf) = vpow2.f32 v1;
	_ =	sdelay $0x1  }
0xab: {  	v1 =	vmul.f32 $1.442695020e+00, v2;
	_ =	sdelay $0x1  }
0xac: {  	(erf) = vpow2.f32 v1;
	_ =	sdelay $0x4  }
0xad: {  	v1 =	vpop (erf)  }
0xae: {  	v1 =	vsel vm0, $0x0, v1  }
0xaf: {  	(xrf2) =	vadd.scan.msk.f32 $0xffff, v1;
	_ =	sdelay $0x1  }
0xb0: {  	v2 =	vpop (erf)  }
0xb1: {  	(xrf0) =	vmax.scan.msk.f32 $0xffff, v2;
	_ =	sdelay $0x5  }
0xb2: {  	v3, _, _ =	vpop (xrf0)  }
0xb3: {  	v5, _, _ =	vpop (xrf2);
	(v2sf) =	vpush v3, $0xF  }
0xb4: {  	(v2sf) =	vpush v5, $0xF;
	_ =	sdelay $0xd  }
0xb5: {  	s2 =	spop (v2sf)  }
0xb6: {  	s21 =	spop (v2sf)  }
0xb7: {  	s2 =	sadd.f32 s21, s2;
	_ =	sdelay $0x1  }
0xb8: {  	s2 =	sadd.f32 $1.000000020e-16, s2;
	_ =	sdelay $0x1  }
0xb9: {  	v3 =	vmov s2  }
0xba: {  	(erf) = vrcp.f32 v3;
	_ =	sdelay $0x8  }
0xbb: {  	v3 =	vpop (erf)  }
0xbc: {  	v1 =	vmul.f32 v3, v1;
	v2 =	vmul.f32 v3, v2  }
.Ltmp0:
0xbd: {  	s10 =	sadd.s32 $0x10, s10;
	(pc) =	sbr.rel @p0 .LBB2_3-.Ltmp0, $4  }
0xbe: {  	[tilespmem:s10+$0x0] =	vst v1  }
0xbf: {  	s13 =	sadd.s32 $0x80, s13;
	[tilespmem:v4+s26+$0x0] =	vst.idx.msk $0x1, v2  }
0xc0: {  	v1 =	vld [tilespmem:s13+$0x0]  }
0xc1: {  	s31 =	sadd.s32 $0x1, s31  }
0xc2: {  	_ =	sdelay $0x2  }
0xc3: {  	s2 =	sadd.s32 s11, s0;
	vm0 =	vgt.s32 v1, $0x0  }
0xc4: {  	v3 =	vmov s2;
	v2 =	vnsel vm0, $0x0, v1  }
0xc5: {  	v2 =	vmin.u32 v2, $0x270F;
	_ =	sdelay $0x3  }
0xc6: {  	v3 =	vld.idx.msk [tilespmem:v3+s19+$0x0], $0xffff  }
0xc7: {  	v2 =	vld.idx.msk [tilespmem:v2+s18+$0x0], $0xffff  }
0xc8: {  	v4 =	vmov s11;
	_ =	sdelay $0x3  }
0xc9: {  	v2 =	vadd.f32 v3, v2  }
0xca: {  	v3 =	vld.idx.msk [tilespmem:v4+s25+$0x0], $0xffff  }
0xcb: {  	v5 =	vmul.f32 $2.000000030e-01, v2  }
0xcc: {  	s11 =	sadd.s32 s11, s9;
	vm14 =	vgt.f32 v2, $0.0e+00  }
0xcd: {  	vm15 =	veq.s32 v1, s11;
	v2 =	vsel vm14, v2, v5  }
0xce: {  	v1 =	vsel vm15, $0xF149F2CA, v2  }
0xcf: {  	v2 =	vmax.f32 v1, v3  }
0xd0: {  	(xrf0) =	vmax.scan.msk.f32 $0xffff, v2;
	_ =	sdelay $0x5  }
0xd1: {  	v2, _, _ =	vpop (xrf0)  }
0xd2: {  	v2 =	vbroadcast v2, $0xF;
	_ =	sdelay $0x1  }
0xd3: {  	v1 =	vsub.f32 v1, v2;
	_ =	sdelay $0x1  }
0xd4: {  	v1 =	vmul.f32 $1.442695020e+00, v1;
	_ =	sdelay $0x1  }
0xd5: {  	v2 =	vsub.f32 v3, v2;
	(erf) = vpow2.f32 v1;
	_ =	sdelay $0x1  }
0xd6: {  	v1 =	vmul.f32 $1.442695020e+00, v2;
	_ =	sdelay $0x1  }
0xd7: {  	(erf) = vpow2.f32 v1;
	_ =	sdelay $0x4  }
0xd8: {  	v1 =	vpop (erf)  }
0xd9: {  	v1 =	vsel vm15, $0x0, v1  }
0xda: {  	(xrf2) =	vadd.scan.msk.f32 $0xffff, v1;
	_ =	sdelay $0x1  }
0xdb: {  	v2 =	vpop (erf)  }
0xdc: {  	(xrf0) =	vmax.scan.msk.f32 $0xffff, v2;
	_ =	sdelay $0x5  }
0xdd: {  	v3, _, _ =	vpop (xrf0)  }
0xde: {  	(v2sf) =	vpush v3, $0xF;
	v63, _, _ =	vpop (xrf2)  }
0xdf: {  	(v2sf) =	vpush v63, $0xF;
	_ =	sdelay $0xd  }
0xe0: {  	s13 =	spop (v2sf)  }
0xe1: {  	s21 =	spop (v2sf)  }
0xe2: {  	s2 =	sadd.f32 s21, s13;
	_ =	sdelay $0x1  }
0xe3: {  	s2 =	sadd.f32 $1.000000020e-16, s2;
	_ =	sdelay $0x1  }
0xe4: {  	v3 =	vmov s2  }
0xe5: {  	(erf) = vrcp.f32 v3;
	_ =	sdelay $0x8  }
0xe6: {  	v3 =	vpop (erf)  }
0xe7: {  	v1 =	vmul.f32 v3, v1  }
0xe8: {  	s31 =	sadd.s32 $0x10, s10;
	v2 =	vmul.f32 v3, v2  }
0xe9: {  	[tilespmem:s31+$0x0] =	vst v1  }
0xea: {  	[tilespmem:v4+s26+$0x0] =	vst.idx.msk $0x1, v2  }
0xeb: {  	_ =	swait.ge [sflag:s28], $0x4000  }
0xec: {  	s9 =	simm.s32 $0x0;
	[sflag:s28] =	ssyncset.done $0x0  }
0xed: {  	s10 =	simm.s32 $0x170C0;
	s11 =	simm.s32 $0x0;
	[sflag:s28] =	ssyncadd.s32 $0xFFFFC000  }
.LBB2_5:
0xee: {  	s2 =	sadd.s32 $0x0, s9  }
0xef: {  	v1 =	vmov s2;
	_ =	sdelay $0x1  }
0xf0: {  	v2 =	vld [tilespmem:s10+$0xFFFFFFC0]  }
0xf1: {  	v3 =	vld [tilespmem:s10+$0xFFFFFFD0]  }
0xf2: {  	v4 =	vld [tilespmem:s10+$0xFFFFFFE0]  }
0xf3: {  	v5 =	vld.idx.msk [tilespmem:v1+s29+$0x0], $0xffff  }
0xf4: {  	v1 =	vld [tilespmem:s10+$0x30]  }
0xf5: {  	v10 =	vld [tilespmem:s10+$0x0]  }
0xf6: {  	s21 =	sadd.s32 $0x1, s9;
	v12 =	vld [tilespmem:s10+$0x10]  }
0xf7: {  	v7 =	vld [tilespmem:s10+$0xFFFFFFF0];
	v6 =	vmov s21;
	_ =	sdelay $0x1  }
0xf8: {  	v1 =	vmul.f32 v1, v5  }
0xf9: {  	v11 =	vld [tilespmem:s10+$0x20];
	s13 =	sadd.s32 $0x80, s10;
	v8 =	vmul.f32 v2, v5;
	v14 =	vmul.f32 v3, v5  }
0xfa: {  	v9 =	vimm.f32 $0.0e+00;
	v13 =	vld [tilespmem:s13+$0x30];
	v16 =	vmul.f32 v10, v5;
	v17 =	vmul.f32 v12, v5  }
0xfb: {  	v2 =	vld.idx.msk [tilespmem:v6+s29+$0x0], $0xffff;
	v3 =	vadd.f32 v1, v9;
	v1 =	vmul.f32 v4, v5;
	v4 =	vmul.f32 v7, v5  }
0xfc: {  	v12 =	vimm.f32 $0.0e+00;
	v7 =	vadd.f32 v8, v9;
	v6 =	vadd.f32 v14, v9;
	v14 =	vld [tilespmem:s13+$0xFFFFFFC0]  }
0xfd: {  	s31 =	simm.s32 $0x3;
	s2 =	sadd.s32 $0x2, s9;
	v15 =	vld [tilespmem:s13+$0xFFFFFFD0];
	v10 =	vimm.f32 $0.0e+00;
	v8 =	vadd.f32 v1, v9;
	v4 =	vadd.f32 v4, v9  }
.LBB2_6:
0xfe: {  	p0 =	sne.s32 s31, $0xF;
	v1 =	vmov s2;
	v18 =	vld [tilespmem:s13+$0xFFFFFFE0];
	v9 =	vadd.f32 v16, v9;
	v11 =	vmul.f32 v11, v5  }
0xff: {  	v16 =	vld [tilespmem:s13+$0xFFFFFFF0];
	v12 =	vadd.f32 v17, v12  }
0x100: {  	v5 =	vmov v2;
	v17 =	vld [tilespmem:s13+$0x0];
	v13 =	vmul.f32 v13, v2;
	v10 =	vadd.f32 v11, v10  }
0x101: {  	v14 =	vmul.f32 v14, v5;
	v19 =	vld [tilespmem:s13+$0x10]  }
.Ltmp1:
0x102: {  	v15 =	vmul.f32 v15, v5;
	v11 =	vld [tilespmem:s13+$0x20];
	v3 =	vadd.f32 v13, v3;
	(pc) =	sbr.rel @p0 .LBB2_6-.Ltmp1, $4  }
0x103: {  	s13 =	sadd.s32 $0x80, s13;
	v2 =	vld.idx.msk [tilespmem:v1+s29+$0x0], $0xffff;
	v7 =	vadd.f32 v14, v7;
	v1 =	vmul.f32 v18, v5  }
0x104: {  	v13 =	vld [tilespmem:s13+$0x30];
	v6 =	vadd.f32 v15, v6;
	v18 =	vmul.f32 v16, v5  }
0x105: {  	v14 =	vld [tilespmem:s13+$0xFFFFFFC0];
	v8 =	vadd.f32 v1, v8;
	v16 =	vmul.f32 v17, v5  }
0x106: {  	s2 =	sadd.s32 s31, s9;
	s31 =	sadd.s32 $0x1, s31;
	v15 =	vld [tilespmem:s13+$0xFFFFFFD0];
	v4 =	vadd.f32 v18, v4;
	v17 =	vmul.f32 v19, v5  }
0x107: {  	v18 =	vld [tilespmem:s13+$0xFFFFFFE0]  }
0x108: {  	v19 =	vld [tilespmem:s13+$0xFFFFFFF0]  }
0x109: {  	v20 =	vld [tilespmem:s13+$0x0]  }
0x10a: {  	v21 =	vld [tilespmem:s13+$0x10]  }
0x10b: {  	v22 =	vld [tilespmem:s13+$0x20]  }
0x10c: {  	v34 =	vld [tilespmem:$0x16B80]  }
0x10d: {  	v36 =	vld [tilespmem:$0x16C00]  }
0x10e: {  	v37 =	vld [tilespmem:$0x16C80]  }
0x10f: {  	v38 =	vld [tilespmem:$0x16D00]  }
0x110: {  	v40 =	vld [tilespmem:$0x16B90]  }
0x111: {  	v42 =	vld [tilespmem:$0x16C10]  }
0x112: {  	v43 =	vld [tilespmem:$0x16C90]  }
0x113: {  	v44 =	vld [tilespmem:$0x16D10]  }
0x114: {  	v46 =	vld [tilespmem:$0x16BA0]  }
0x115: {  	v5 =	vmul.f32 v11, v5;
	v11 =	vld [tilespmem:$0x16C20]  }
0x116: {  	v9 =	vadd.f32 v16, v9;
	v16 =	vld [tilespmem:$0x16CA0]  }
0x117: {  	v52 =	vld [tilespmem:$0x16C30]  }
0x118: {  	s21 =	sadd.s32 $0x80, s13;
	v57 =	vld [tilespmem:$0x16BC0]  }
0x119: {  	v24 =	vld [tilespmem:s21+$0x30]  }
0x11a: {  	v25 =	vld [tilespmem:s21+$0xFFFFFFC0]  }
0x11b: {  	v26 =	vld [tilespmem:s21+$0xFFFFFFD0]  }
0x11c: {  	v27 =	vld [tilespmem:s21+$0xFFFFFFE0]  }
0x11d: {  	v28 =	vld [tilespmem:s21+$0xFFFFFFF0]  }
0x11e: {  	v29 =	vld [tilespmem:s21+$0x0]  }
0x11f: {  	v30 =	vld [tilespmem:s21+$0x10]  }
0x120: {  	v1 =	vmov s2;
	s31 =	sshll.u32 s11, $0x7;
	v31 =	vld [tilespmem:s21+$0x20]  }
0x121: {  	v33 =	vld [tilespmem:s31+$0x1B080]  }
0x122: {  	v35 =	vld [tilespmem:s31+$0x1B480]  }
0x123: {  	v39 =	vld [tilespmem:s31+$0x1B090]  }
0x124: {  	v41 =	vld [tilespmem:s31+$0x1B490]  }
0x125: {  	v23 =	vld.idx.msk [tilespmem:v1+s29+$0x0], $0xffff;
	v1 =	vmov s11  }
0x126: {  	v45 =	vld [tilespmem:s31+$0x1B0A0];
	v13 =	vmul.f32 v13, v2  }
0x127: {  	v47 =	vld [tilespmem:s31+$0x1B4A0];
	v12 =	vadd.f32 v17, v12;
	v5 =	vadd.f32 v5, v10;
	v14 =	vmul.f32 v14, v2  }
0x128: {  	v17 =	vld [tilespmem:$0x16D20];
	v60 =	vmul.f32 v15, v2;
	v3 =	vadd.f32 v13, v3;
	v61 =	vmul.f32 v18, v2  }
0x129: {  	v56 =	vld [tilespmem:s31+$0x1B0C0];
	v7 =	vadd.f32 v14, v7;
	v62 =	vmul.f32 v19, v2;
	v48 =	vmul.f32 v21, v2  }
0x12a: {  	v6 =	vadd.f32 v60, v6;
	v8 =	vadd.f32 v61, v8;
	v32 =	vld.idx.msk [tilespmem:v1+s26+$0x0], $0xffff;
	v63 =	vmul.f32 v25, v23  }
0x12b: {  	v14 =	vld [tilespmem:s31+$0x1B0B0];
	v4 =	vadd.f32 v62, v4;
	v25 =	vmul.f32 v20, v2;
	v50 =	vmul.f32 v26, v23  }
0x12c: {  	v49 =	vld [tilespmem:s31+$0x1B4B0];
	v12 =	vadd.f32 v48, v12;
	v2 =	vmul.f32 v22, v2;
	v54 =	vmul.f32 v24, v23  }
0x12d: {  	v59 =	vld [tilespmem:s31+$0x1B4C0];
	v58 =	vmul.f32 v28, v23;
	v7 =	vadd.f32 v63, v7;
	v9 =	vadd.f32 v25, v9  }
0x12e: {  	v15 =	vld [tilespmem:$0x16BB0];
	v60 =	vmul.f32 v29, v23;
	v6 =	vadd.f32 v50, v6;
	v2 =	vadd.f32 v2, v5  }
0x12f: {  	v13 =	vld [tilespmem:$0x16CB0];
	v4 =	vadd.f32 v58, v4;
	v51 =	vmul.f32 v33, v32;
	v53 =	vmul.f32 v39, v32  }
0x130: {  	v18 =	vld [tilespmem:$0x16D30];
	v9 =	vadd.f32 v60, v9;
	v14 =	vmul.f32 v14, v32;
	v39 =	vmul.f32 v56, v32  }
0x131: {  	v61 =	vld [tilespmem:$0x16C40];
	v55 =	vmul.f32 v27, v23;
	v7 =	vadd.f32 v51, v7;
	v6 =	vadd.f32 v53, v6  }
0x132: {  	v48 =	vld [tilespmem:s31+$0x1B4E0];
	v62 =	vmul.f32 v30, v23;
	v4 =	vadd.f32 v14, v4;
	v9 =	vadd.f32 v39, v9  }
0x133: {  	v23 =	vmul.f32 v31, v23;
	v63 =	vld [tilespmem:$0x16CC0];
	v7 =	vadd.f32 v7, v34;
	v6 =	vadd.f32 v6, v40  }
0x134: {  	v5 =	vadd.f32 v55, v8;
	v50 =	vld [tilespmem:$0x16BF0];
	v34 =	vmul.f32 v45, v32;
	v4 =	vadd.f32 v4, v15  }
0x135: {  	v9 =	vadd.f32 v9, v57;
	v7 =	vmul.f32 v7, v35;
	v6 =	vmul.f32 v6, v41;
	v35 =	vld [tilespmem:s31+$0x1B0D0]  }
0x136: {  	v3 =	vadd.f32 v54, v3;
	v40 =	vld [tilespmem:s31+$0x1B0E0];
	v5 =	vadd.f32 v34, v5;
	v4 =	vmul.f32 v4, v49  }
0x137: {  	v12 =	vadd.f32 v62, v12;
	v54 =	vld [tilespmem:$0x16CE0];
	v8 =	vmul.f32 v9, v59;
	v6 =	vmul.f32 v6, v42  }
0x138: {  	v2 =	vadd.f32 v23, v2;
	v7 =	vmul.f32 v7, v36;
	v36 =	vld [tilespmem:$0x16BD0];
	v5 =	vadd.f32 v5, v46  }
0x139: {  	v4 =	vmul.f32 v4, v52;
	v8 =	vmul.f32 v8, v61;
	v6 =	vadd.f32 v6, v43;
	v43 =	vld [tilespmem:s31+$0x1B0F0]  }
0x13a: {  	v46 =	vld [tilespmem:$0x16BE0];
	v7 =	vadd.f32 v7, v37;
	v5 =	vmul.f32 v5, v47;
	v42 =	vmul.f32 v35, v32  }
0x13b: {  	v37 =	vld [tilespmem:s31+$0x1B4D0];
	v47 =	vmul.f32 v40, v32;
	v4 =	vadd.f32 v4, v13;
	v8 =	vadd.f32 v8, v63  }
0x13c: {  	v53 =	vld [tilespmem:s31+$0x1B4F0];
	v7 =	vmax.f32 v7, $0.0e+00;
	v5 =	vmul.f32 v5, v11;
	v45 =	vadd.f32 v42, v12  }
0x13d: {  	v41 =	vld [tilespmem:$0x16C50];
	v6 =	vmax.f32 v6, $0.0e+00;
	v2 =	vadd.f32 v47, v2;
	v7 =	vmul.f32 v7, v38  }
0x13e: {  	v52 =	vld [tilespmem:$0x16C60];
	v5 =	vadd.f32 v5, v16;
	v49 =	vadd.f32 v45, v36;
	v51 =	vmul.f32 v43, v32  }
0x13f: {  	v6 =	vmul.f32 v6, v44;
	v44 =	vld [tilespmem:$0x16CD0];
	v2 =	vadd.f32 v2, v46;
	v7 =	vadd.f32 $0.0e+00, v7  }
0x140: {  	v33 =	vld [tilespmem:$0x16D40];
	v5 =	vmax.f32 v5, $0.0e+00;
	v9 =	vmul.f32 v49, v37;
	v3 =	vadd.f32 v51, v3  }
0x141: {  	v55 =	vld [tilespmem:$0x16C70];
	v4 =	vmax.f32 v4, $0.0e+00;
	v6 =	vadd.f32 v6, v7;
	v5 =	vmul.f32 v5, v17  }
0x142: {  	v56 =	vld [tilespmem:$0x16D50];
	v2 =	vmul.f32 v2, v48;
	v9 =	vmul.f32 v9, v41;
	v3 =	vadd.f32 v3, v50  }
0x143: {  	v58 =	vld [tilespmem:$0x16CF0];
	v57 =	vmax.f32 v8, $0.0e+00;
	v4 =	vmul.f32 v4, v18;
	v5 =	vadd.f32 v5, v6  }
0x144: {  	v59 =	vld [tilespmem:$0x16D60];
	v2 =	vmul.f32 v2, v52;
	v9 =	vadd.f32 v9, v44;
	v3 =	vmul.f32 v3, v53  }
0x145: {  	v60 =	vmul.f32 v57, v33;
	v4 =	vadd.f32 v4, v5  }
0x146: {  	v62 =	vld [tilespmem:$0x16D70];
	v2 =	vadd.f32 v2, v54;
	v61 =	vmax.f32 v9, $0.0e+00;
	v3 =	vmul.f32 v3, v55  }
0x147: {  	v4 =	vadd.f32 v60, v4;
	v63 =	vmul.f32 v61, v56  }
0x148: {  	v2 =	vmax.f32 v2, $0.0e+00;
	v3 =	vadd.f32 v3, v58  }
0x149: {  	v2 =	vmul.f32 v2, v59;
	v4 =	vadd.f32 v63, v4  }
0x14a: {  	v3 =	vmax.f32 v3, $0.0e+00  }
0x14b: {  	v2 =	vadd.f32 v2, v4;
	v3 =	vmul.f32 v3, v62;
	_ =	sdelay $0x1  }
0x14c: {  	v2 =	vadd.f32 v3, v2;
	_ =	sdelay $0x1  }
0x14d: {  	(xrf2) =	vadd.scan.msk.f32 $0xffff, v2;
	_ =	sdelay $0x8  }
0x14e: {  	s11 =	sadd.s32 $0x1, s11  }
0x14f: {  	p0 =	sne.s32 s11, $0x8;
	v2, _, _ =	vpop (xrf2)  }
.Ltmp2:
0x150: {  	v2 =	vadd.f32 $0.0e+00, v2;
	(pc) =	sbr.rel @p0 .LBB2_5-.Ltmp2, $3  }
0x151: {  	_ = 	snop  }
0x152: {  	v2 =	vbroadcast v2, $0xF;
	_ =	sdelay $0x1  }
0x153: {  	s9 =	sadd.s32 $0x10, s9;
	s10 =	sadd.s32 $0x800, s10;
	[tilespmem:v1+s30+$0x0] =	vst.idx.msk $0x1, v2  }
0x154: {  	v1 =	vld [tilespmem:$0x1B980]  }
0x155: {  	v2 =	vld [tilespmem:$0x16D80];
	_ =	sdelay $0x1  }
0x156: {  	s2 =	sshll.u32 s20, $0x1  }
0x157: {  	s2 =	sand.u32 $0xFF00, s2  }
0x158: {  	s2 =	sor.u32 s2, s5  }
0x159: {  	s3 =	sadd.s32 $0x1, s3;
	s2 =	sor.u32 s17, s2;
	v1 =	vadd.f32 v2, v1  }
0x15a: {  	p0 =	sne.s32 s3, $0x50;
	s2 =	sshrl.u32 s2, $0x3  }
.Ltmp3:
0x15b: {  	s2 =	sadd.s32 s8, s2;
	[tilespmem:$0x1B980] =	vst v1;
	(pc) =	sbr.rel @p0 .LBB2_2-.Ltmp3, $4  }
0x15c: {  	[hbm4b:s2+s4] =	stream.linear.scatter [tilespmem:s30], [sflag:$0x2], $0x8, $0x38;
	[tilespmem:$0x1BA00] =	vst v63  }
0x15d: {  	_ =	swait.ge [sflag:s15], $0x8  }
0x15e: {  	[sflag:s15] =	ssyncset.done $0x0  }
0x15f: {  	s0 =	sadd.s32 $0x8, s0;
	s1 =	sadd.s32 $0x400, s1;
	[sflag:s15] =	ssyncadd.s32 $0xFFFFFFF8  }
0x160: {  	s1 =	rddreg [dreg:$0x8]  }
0x161: {  	s0 =	rddreg [dreg:$0x7];
	s1 =	sadd.s32 $0x1, s1  }
0x162: {  	p0 =	sne.s32 s1, s0  }
.Ltmp4:
0x163: {  	_ = 	snop;
	(pc) =	sbr.rel @p0 .LBB2_1-.Ltmp4, $1  }
0x164: {  	_ =	sdelay $0x3  }
0x165: {  	_ =	sfence.sel $0x180000  }
0x166: {  	[bflag:$0x0] =	sbarrier.arrive $0xFFFF  }
0x167: {  	_ =	strace $0x90000047  }
0x168: {  	s0 =	stileid.u32;
	[bflag:$0x2] =	sbarrier.arrive $0xFFFF  }
0x169: {  	p0 =	sne.s32 s0, $0x0;
	s0 =	rddreg [dreg:$0x3]  }
0x16a: {  	s0 =	sadd.s32 @!p0 $0x100000, s0  }
0x16b: {  	[sflag:s0] =	ssyncadd.tile.s32 @!p0 $0x1;
	_ =	shalt  }
.Lfunc_end2:
_tile_overlayer_lowered:
.L_overlay_start_2:
0x16c: {  	(tag) =	ssettag $0x2  }
0x16d: {  	s0 =	rddreg [dreg:$0x0];
	s2 =	stileid.u32  }
0x16e: {  	s1 =	rddreg [dreg:$0x1];
	p0 =	sne.s32 s2, $0x0  }
0x16f: {  	s3 =	rddreg [dreg:$0x2];
	[bflag:$0x3] =	sbarrier.arrive $0xFFFF;
	s2 =	simm.s32 @!p0 $0x1C02  }
0x170: {  	[timem:s3], [sflag:s2] =	dma.local @!p0 [hbm:s0], s1  }
0x171: {  	s0 =	simm.s32 @!p0 $0x2  }
0x172: {  	_ =	swait.ge @!p0 [sflag:s0], s1  }
0x173: {  	s1 =	ssub.s32 @!p0 $0x0, s1;
	[sflag:s0] =	ssyncset.done @!p0 $0x0  }
0x174: {  	[sflag:s0] =	ssyncadd.s32 @!p0 s1  }
0x175: {  	[bflag:$0x3] =	sbarrier.arrive $0xFFFF  }
0x176: {  	_ =	shalt  }

</sc_bundles>
